<compile_context>
chip_gen: v7x
topology: tpu7x:2x2x1
jax: 0.10.2.dev20260603
libtpu: 0.0.44.dev20260713+nightly
codegen_flags: <defaults>
</compile_context>

<pallas_src>
import functools

import jax
import jax.numpy as jnp
from jax import lax
from jax.experimental import pallas as pl
from jax.experimental.pallas import tpu as pltpu
from jax.experimental.pallas import tpu_sc as plsc

N = 10000
E = 320000
D = 128
ACCR = 10120
DEGP = 10240

NC = 2
NS = 16
NW = NC * NS
EPW = E // NW
K = 80
NCHUNK = EPW // K
NBLK = 5
CB = NCHUNK // NBLK
NPAIRB = (CB - 1) // 2
RPT = 632


def _sc_aggregate(src_hbm, dst_hbm, nodes_hbm, ef_hbm, s_out, deg_out,
                  sidx_blk, didx_blk, rows_na, rows_ea, rows_nb, rows_eb,
                  ones_v, acc_sh, deg_sh,
                  gs_a, es_a, ss_a, gs_b, es_b, ss_b, dg_s):
    c = lax.axis_index("c")
    s = lax.axis_index("s")
    wid = s * NC + c

    zero16 = jnp.zeros((16,), jnp.float32)

    def zero_rows(r, _):
        def zero_cols(j, _):
            rows_na[r, pl.ds(j * 16, 16)] = zero16
            return 0
        return lax.fori_loop(0, D // 16, zero_cols, 0)

    lax.fori_loop(0, K, zero_rows, 0)

    def zero_ones(i, _):
        ones_v[pl.ds(i * 16, 16)] = zero16
        return 0
    lax.fori_loop(0, K // 16, zero_ones, 0)

    rbase = s * RPT
    dbase = s * (DEGP // NS)
    for t in range(640 // K):
        pltpu.sync_copy(rows_na.at[pl.ds(0, K)],
                        acc_sh.at[pl.ds(rbase + t * K, K)])
        pltpu.sync_copy(ones_v.at[pl.ds(0, K)],
                        deg_sh.at[pl.ds(dbase + t * K, K)])

    one16 = jnp.ones((16,), jnp.float32)

    def fill_ones(i, _):
        ones_v[pl.ds(i * 16, 16)] = one16
        return 0
    lax.fori_loop(0, K // 16, fill_ones, 0)

    plsc.subcore_barrier()

    def issue_loads(blk, j, rows_n, rows_e, gsem, esem):
        gd = pltpu.async_copy(nodes_hbm.at[sidx_blk.at[j]], rows_n, gsem)
        off = ((wid * NCHUNK + blk * CB + j) * K)
        ed = pltpu.async_copy(ef_hbm.at[pl.ds(off, K)], rows_e, esem)
        return gd, ed

    def issue_scatters(j, rows_n, rows_e, ssem):
        pltpu.async_copy(rows_n, acc_sh.at[didx_blk.at[j]], ssem, add=True)
        pltpu.async_copy(rows_e, acc_sh.at[didx_blk.at[j]], ssem, add=True)
        pltpu.async_copy(ones_v, deg_sh.at[didx_blk.at[j]], dg_s, add=True)

    def wait_scatters(j, rows_n, rows_e, ssem):
        pltpu.make_async_copy(rows_n, acc_sh.at[didx_blk.at[j]], ssem).wait()
        pltpu.make_async_copy(rows_e, acc_sh.at[didx_blk.at[j]], ssem).wait()

    def block(blk, _):
        pltpu.sync_copy(src_hbm.at[wid, blk], sidx_blk)
        pltpu.sync_copy(dst_hbm.at[wid, blk], didx_blk)

        def pair(i, _):
            ja = 2 * i
            jb = 2 * i + 1
            gd_a, ed_a = issue_loads(blk, ja, rows_na, rows_ea, gs_a, es_a)

            @pl.when(i > 0)
            def _():
                wait_scatters(jb - 2, rows_nb, rows_eb, ss_b)

            gd_b, ed_b = issue_loads(blk, jb, rows_nb, rows_eb, gs_b, es_b)
            gd_a.wait()
            ed_a.wait()
            issue_scatters(ja, rows_na, rows_ea, ss_a)
            gd_b.wait()
            ed_b.wait()
            issue_scatters(jb, rows_nb, rows_eb, ss_b)
            wait_scatters(ja, rows_na, rows_ea, ss_a)
            return 0

        lax.fori_loop(0, NPAIRB, pair, 0)

        jl = CB - 1
        gd_a, ed_a = issue_loads(blk, jl, rows_na, rows_ea, gs_a, es_a)
        wait_scatters(jl - 2, rows_nb, rows_eb, ss_b)
        gd_a.wait()
        ed_a.wait()
        issue_scatters(jl, rows_na, rows_ea, ss_a)
        wait_scatters(jl, rows_na, rows_ea, ss_a)

        def drain_deg(j, _):
            pltpu.make_async_copy(ones_v, deg_sh.at[didx_blk.at[j]],
                                  dg_s).wait()
            return 0
        lax.fori_loop(0, CB, drain_deg, 0)
        return 0

    lax.fori_loop(0, NBLK, block, 0)

    plsc.subcore_barrier()

    pltpu.sync_copy(deg_sh.at[pl.ds(dbase, DEGP // NS)],
                    deg_out.at[pl.ds(c * DEGP + dbase, DEGP // NS)])

    @pl.when(s < NS - 1)
    def _():
        pltpu.sync_copy(acc_sh.at[pl.ds(rbase, RPT)],
                        s_out.at[c, pl.ds(rbase, RPT)])

    @pl.when(s == NS - 1)
    def _():
        pltpu.sync_copy(acc_sh.at[pl.ds((NS - 1) * RPT, N - (NS - 1) * RPT)],
                        s_out.at[c, pl.ds((NS - 1) * RPT, N - (NS - 1) * RPT)])


_sc_call = functools.partial(
    pl.kernel,
    out_type=[
        jax.ShapeDtypeStruct((NC, N, D), jnp.float32),
        jax.ShapeDtypeStruct((NC * DEGP,), jnp.float32),
    ],
    mesh=plsc.VectorSubcoreMesh(core_axis_name="c", subcore_axis_name="s"),
    scratch_types=[
        pltpu.VMEM((CB, K), jnp.int32),
        pltpu.VMEM((CB, K), jnp.int32),
        pltpu.VMEM((K, D), jnp.float32),
        pltpu.VMEM((K, D), jnp.float32),
        pltpu.VMEM((K, D), jnp.float32),
        pltpu.VMEM((K, D), jnp.float32),
        pltpu.VMEM((K,), jnp.float32),
        pltpu.VMEM_SHARED((ACCR, D), jnp.float32),
        pltpu.VMEM_SHARED((DEGP,), jnp.float32),
        pltpu.SemaphoreType.DMA,
        pltpu.SemaphoreType.DMA,
        pltpu.SemaphoreType.DMA,
        pltpu.SemaphoreType.DMA,
        pltpu.SemaphoreType.DMA,
        pltpu.SemaphoreType.DMA,
        pltpu.SemaphoreType.DMA,
    ],
)(_sc_aggregate)


def _bn_relu(h, g, beta):
    mean = jnp.mean(h, axis=0, keepdims=True)
    var = jnp.mean(h * h, axis=0, keepdims=True) - mean * mean
    return jnp.maximum(g * (h - mean) * lax.rsqrt(var + 1e-5) + beta, 0.0)


def _tc_mlp(x_ref, sp_ref, dp_ref, eps_ref, w1_ref, b1_ref, g1_ref, bt1_ref,
            w2_ref, b2_ref, g2_ref, bt2_ref, o_ref):
    s = sp_ref[0] + sp_ref[1]
    deg = dp_ref[:N] + dp_ref[DEGP:DEGP + N]
    h = ((1.0 + eps_ref[0, 0]) * x_ref[...]
         + s / jnp.maximum(deg[:, None], 1.0))

    h = jnp.dot(h.astype(jnp.bfloat16), w1_ref[...].astype(jnp.bfloat16),
                preferred_element_type=jnp.float32) + b1_ref[...]
    h = _bn_relu(h, g1_ref[...], bt1_ref[...])
    h = jnp.dot(h.astype(jnp.bfloat16), w2_ref[...].astype(jnp.bfloat16),
                preferred_element_type=jnp.float32) + b2_ref[...]
    o_ref[...] = _bn_relu(h, g2_ref[...], bt2_ref[...])


def kernel(node_feats, edge_index, edge_feats, eps, W1, b1, g1, beta1,
           W2, b2, g2, beta2):
    src = edge_index[0].reshape(NW, NBLK, CB, K)
    dst = edge_index[1].reshape(NW, NBLK, CB, K)

    s_part, deg_part = _sc_call(src, dst, node_feats, edge_feats)

    out = pl.pallas_call(
        _tc_mlp,
        out_shape=jax.ShapeDtypeStruct((N, D), jnp.float32),
    )(
        node_feats, s_part, deg_part,
        eps.reshape(1, 1),
        W1, b1.reshape(1, -1), g1.reshape(1, -1), beta1.reshape(1, -1),
        W2, b2.reshape(1, -1), g2.reshape(1, -1), beta2.reshape(1, -1),
    )
    return out

# --- scband reference (transcript-rebuilt; emitter-appended) ---
"""Pipeline reference for scband-ginconv-57526791963072 (READ-ONLY COPY).

The authoritative reference and input builder live on the scoring server;
editing this copy changes nothing except your own understanding.
"""

import jax, jax.numpy as jnp
import numpy as np

N = 10000
E = 320000
D = 128

def _batchnorm(x, gamma, beta):
    mean = jnp.mean(x, axis=0)
    var = jnp.mean((x - mean) ** 2, axis=0)
    return gamma * (x - mean) / jnp.sqrt(var + 1e-5) + beta

def setup_inputs(seed: int = 0):
    key = jax.random.key(seed)
    ks = jax.random.split(key, 8)
    node_feats = jax.random.normal(ks[0], (N, D), dtype=jnp.float32)
    edge_index = jax.random.randint(ks[1], (2, E), 0, N, dtype=jnp.int32)
    edge_feats = jax.random.normal(ks[2], (E, D), dtype=jnp.float32)
    eps = jnp.zeros((1,), dtype=jnp.float32)
    W1 = jax.random.normal(ks[3], (D, 2 * D), dtype=jnp.float32) * (1.0 / np.sqrt(D))
    b1 = jnp.zeros((2 * D,), dtype=jnp.float32)
    g1 = jnp.ones((2 * D,), dtype=jnp.float32)
    beta1 = jnp.zeros((2 * D,), dtype=jnp.float32)
    W2 = jax.random.normal(ks[4], (2 * D, D), dtype=jnp.float32) * (1.0 / np.sqrt(2 * D))
    b2 = jnp.zeros((D,), dtype=jnp.float32)
    g2 = jnp.ones((D,), dtype=jnp.float32)
    beta2 = jnp.zeros((D,), dtype=jnp.float32)
    return {"node_feats": node_feats, "edge_index": edge_index, "edge_feats": edge_feats,
            "eps": eps, "W1": W1, "b1": b1, "g1": g1, "beta1": beta1,
            "W2": W2, "b2": b2, "g2": g2, "beta2": beta2}

def reference(node_feats, edge_index, edge_feats, eps, W1, b1, g1, beta1, W2, b2, g2, beta2):
    src = edge_index[0]
    dst = edge_index[1]
    # message: u_add_e -> source node feature + edge feature
    m = jnp.take(node_feats, src, axis=0) + edge_feats
    # mean aggregation over incoming edges per destination node
    s = jax.ops.segment_sum(m, dst, num_segments=N)
    deg = jax.ops.segment_sum(jnp.ones((E, 1), dtype=jnp.float32), dst, num_segments=N)
    hv_new = s / jnp.maximum(deg, 1.0)
    h = (1.0 + eps) * node_feats + hv_new
    # MLP: Linear -> BN -> ReLU -> Linear -> BN -> ReLU (training-mode batch stats)
    h = h @ W1 + b1
    h = _batchnorm(h, g1, beta1)
    h = jax.nn.relu(h)
    h = h @ W2 + b2
    h = _batchnorm(h, g2, beta2)
    h = jax.nn.relu(h)
    return h

if __name__ == "__main__":
    import jax
    _d = setup_inputs()
    print(jax.jit(kernel)(*tuple(_d.values())))

</pallas_src>

<mosaic_0001>
#map = affine_map<(d0, d1) -> (0, 0, 0, 0)>
#map1 = affine_map<(d0, d1) -> (0, 0)>
#map2 = affine_map<(d0, d1) -> (0, 0, 0)>
#map3 = affine_map<(d0, d1) -> (0)>
module attributes {stable_mosaic.version = 14 : i64} {
  func.func @_sc_aggregate(%arg0: i32, %arg1: i32, %arg2: memref<32x5x25x80xi32, #tpu.memory_space<hbm>>, %arg3: memref<32x5x25x80xi32, #tpu.memory_space<hbm>>, %arg4: memref<10000x128xf32, #tpu.memory_space<hbm>>, %arg5: memref<320000x128xf32, #tpu.memory_space<hbm>>, %arg6: memref<2x10000x128xf32, #tpu.memory_space<hbm>>, %arg7: memref<20480xf32, #tpu.memory_space<hbm>>, %arg8: memref<25x80xi32, #tpu.memory_space<vmem>>, %arg9: memref<25x80xi32, #tpu.memory_space<vmem>>, %arg10: memref<80x128xf32, #tpu.memory_space<vmem>>, %arg11: memref<80x128xf32, #tpu.memory_space<vmem>>, %arg12: memref<80x128xf32, #tpu.memory_space<vmem>>, %arg13: memref<80x128xf32, #tpu.memory_space<vmem>>, %arg14: memref<80xf32, #tpu.memory_space<vmem>>, %arg15: memref<10120x128xf32, #tpu.memory_space<vmem_shared>>, %arg16: memref<10240xf32, #tpu.memory_space<vmem_shared>>, %arg17: memref<!tpu.dma_semaphore, #tpu.memory_space<semaphore_mem>>, %arg18: memref<!tpu.dma_semaphore, #tpu.memory_space<semaphore_mem>>, %arg19: memref<!tpu.dma_semaphore, #tpu.memory_space<semaphore_mem>>, %arg20: memref<!tpu.dma_semaphore, #tpu.memory_space<semaphore_mem>>, %arg21: memref<!tpu.dma_semaphore, #tpu.memory_space<semaphore_mem>>, %arg22: memref<!tpu.dma_semaphore, #tpu.memory_space<semaphore_mem>>, %arg23: memref<!tpu.dma_semaphore, #tpu.memory_space<semaphore_mem>>) attributes {dimension_semantics = [#tpu.dimension_semantics<core_parallel>, #tpu.dimension_semantics<subcore_parallel>], iteration_bounds = array<i64: 2, 16>, scalar_prefetch = 0 : i64, scratch_operands = 16 : i64, tpu.core_type = #tpu.core_type<sc_vector_subcore>, window_params = [{transform_indices = #map}, {transform_indices = #map}, {transform_indices = #map1}, {transform_indices = #map1}, {transform_indices = #map2}, {transform_indices = #map3}]} {
    %mul3A = arith.constant 2 : i32
    %mul3A_0 = arith.muli %arg1, %mul3A : i32
    %add3A = arith.addi %mul3A_0, %arg0 : i32
    %broadcast_in_dim3A = arith.constant 0.000000e+00 : f32
    %broadcast_in_dim3A_1 = vector.broadcast %broadcast_in_dim3A : f32 to vector<16xf32>
    %scan3A = arith.constant 0 : i32
    %scan3A_2 = arith.constant 0 : i32
    %scan3A_3 = arith.constant 80 : i32
    %scan3A_4 = arith.addi %scan3A_2, %scan3A_3 : i32
    %scan3A_5 = arith.constant 1 : i32
    %scan3A_6 = scf.for %scan3A_77 = %scan3A_2 to %scan3A_4 step %scan3A_5 iter_args(%scan3A_78 = %scan3A) -> (i32)  : i32 {
      %scan3A_79 = arith.constant 0 : i32
      %scan3A_80 = arith.constant 0 : i32
      %scan3A_81 = arith.constant 8 : i32
      %scan3A_82 = arith.addi %scan3A_80, %scan3A_81 : i32
      %scan3A_83 = arith.constant 1 : i32
      %scan3A_84 = scf.for %scan3A_86 = %scan3A_80 to %scan3A_82 step %scan3A_83 iter_args(%scan3A_87 = %scan3A_79) -> (i32)  : i32 {
        %mul3A_88 = arith.constant 16 : i32
        %mul3A_89 = arith.muli %scan3A_86, %mul3A_88 : i32
        %swap3A = arith.index_cast %scan3A_77 : i32 to index
        %swap3A_90 = arith.index_cast %mul3A_89 : i32 to index
        %swap3A_91 = tpu.vector_load %arg10[%swap3A, %swap3A_90] {strides = array<i32>} : memref<80x128xf32, #tpu.memory_space<vmem>>, vector<1x16xf32>,
        %swap3A_92 = vector.shape_cast %swap3A_91 : vector<1x16xf32> to vector<16xf32>
        %swap3A_93 = vector.shape_cast %broadcast_in_dim3A_1 : vector<16xf32> to vector<1x16xf32>
        tpu.vector_store %arg10[%swap3A, %swap3A_90], %swap3A_93 {strides = array<i32>} : memref<80x128xf32, #tpu.memory_space<vmem>>, vector<1x16xf32>,
        %scan3A_94 = arith.constant 0 : i32
        scf.yield %scan3A_94 : i32
      }
      %scan3A_85 = arith.constant 8 : i32
      scf.yield %scan3A_84 : i32
    }
    %scan3A_7 = arith.constant 80 : i32
    %scan3A_8 = arith.constant 0 : i32
    %scan3A_9 = arith.constant 0 : i32
    %scan3A_10 = arith.constant 5 : i32
    %scan3A_11 = arith.addi %scan3A_9, %scan3A_10 : i32
    %scan3A_12 = arith.constant 1 : i32
    %scan3A_13 = scf.for %scan3A_77 = %scan3A_9 to %scan3A_11 step %scan3A_12 iter_args(%scan3A_78 = %scan3A_8) -> (i32)  : i32 {
      %mul3A_79 = arith.constant 16 : i32
      %mul3A_80 = arith.muli %scan3A_77, %mul3A_79 : i32
      %swap3A = arith.index_cast %mul3A_80 : i32 to index
      %swap3A_81 = tpu.vector_load %arg14[%swap3A] {strides = array<i32>} : memref<80xf32, #tpu.memory_space<vmem>>, vector<16xf32>,
      %swap3A_82 = vector.shape_cast %swap3A_81 : vector<16xf32> to vector<16xf32>
      %swap3A_83 = vector.shape_cast %broadcast_in_dim3A_1 : vector<16xf32> to vector<16xf32>
      tpu.vector_store %arg14[%swap3A], %swap3A_83 {strides = array<i32>} : memref<80xf32, #tpu.memory_space<vmem>>, vector<16xf32>,
      %scan3A_84 = arith.constant 0 : i32
      scf.yield %scan3A_84 : i32
    }
    %scan3A_14 = arith.constant 5 : i32
    %mul3A_15 = arith.constant 632 : i32
    %mul3A_16 = arith.muli %arg1, %mul3A_15 : i32
    %mul3A_17 = arith.constant 640 : i32
    %mul3A_18 = arith.muli %arg1, %mul3A_17 : i32
    %add3A_19 = arith.constant 0 : i32
    %add3A_20 = arith.addi %mul3A_16, %add3A_19 : i32
    "tpu.region"() ({
      %run_scoped3A = tpu.sem_alloc : memref<!tpu.dma_semaphore, #tpu.memory_space<semaphore_mem>>
      %dma_start3A = arith.constant 0 : i32
      %dma_start3A_77 = arith.constant 0 : i32
      %dma_start3A_78 = tpu.memref_slice %arg10[%dma_start3A, %dma_start3A_77] : memref<80x128xf32, #tpu.memory_space<vmem>> -> memref<80x128xf32, #tpu.memory_space<vmem>>
      %dma_start3A_79 = arith.constant 0 : i32
      %dma_start3A_80 = tpu.memref_slice %arg15[%add3A_20, %dma_start3A_79] : memref<10120x128xf32, #tpu.memory_space<vmem_shared>> -> memref<80x128xf32, #tpu.memory_space<vmem_shared>>
      %dma_start3A_81 = arith.constant 0 : i32
      %dma_start3A_82 = tpu.memref_slice %arg15[%add3A_20, %dma_start3A_81] : memref<10120x128xf32, #tpu.memory_space<vmem_shared>> -> memref<80x128xf32, #tpu.memory_space<vmem_shared>>
      %dma_start3A_83 = arith.constant 0 : i32
      %dma_start3A_84 = arith.constant 0 : i32
      %dma_start3A_85 = tpu.memref_slice %arg10[%dma_start3A_83, %dma_start3A_84] : memref<80x128xf32, #tpu.memory_space<vmem>> -> memref<80x128xf32, #tpu.memory_space<vmem>>
      tpu.enqueue_dma source(%dma_start3A_85 : memref<80x128xf32, #tpu.memory_space<vmem>>) target(%dma_start3A_82 : memref<80x128xf32, #tpu.memory_space<vmem_shared>>) target_semaphore(%run_scoped3A : memref<!tpu.dma_semaphore, #tpu.memory_space<semaphore_mem>>)
      %dma_wait3A = arith.constant 0 : i32
      %dma_wait3A_86 = arith.constant 0 : i32
      %dma_wait3A_87 = tpu.memref_slice %arg10[%dma_wait3A, %dma_wait3A_86] : memref<80x128xf32, #tpu.memory_space<vmem>> -> memref<80x128xf32, #tpu.memory_space<vmem>>
      %dma_wait3A_88 = arith.constant 0 : i32
      %dma_wait3A_89 = tpu.memref_slice %arg15[%add3A_20, %dma_wait3A_88] : memref<10120x128xf32, #tpu.memory_space<vmem_shared>> -> memref<80x128xf32, #tpu.memory_space<vmem_shared>>
      %dma_wait3A_90 = arith.constant 0 : i32
      %dma_wait3A_91 = tpu.memref_slice %arg15[%add3A_20, %dma_wait3A_90] : memref<10120x128xf32, #tpu.memory_space<vmem_shared>> -> memref<80x128xf32, #tpu.memory_space<vmem_shared>>
      %dma_wait3A_92 = arith.constant 0 : i32
      %dma_wait3A_93 = arith.constant 0 : i32
      %dma_wait3A_94 = tpu.memref_slice %arg10[%dma_wait3A_92, %dma_wait3A_93] : memref<80x128xf32, #tpu.memory_space<vmem>> -> memref<80x128xf32, #tpu.memory_space<vmem>>
      tpu.wait_dma2 semaphore(%run_scoped3A : memref<!tpu.dma_semaphore, #tpu.memory_space<semaphore_mem>>) src(%dma_wait3A_94 : memref<80x128xf32, #tpu.memory_space<vmem>>) dst(%dma_wait3A_91 : memref<80x128xf32, #tpu.memory_space<vmem_shared>>)
      tpu.yield
    }) : () -> ()
    %add3A_21 = arith.constant 0 : i32
    %add3A_22 = arith.addi %mul3A_18, %add3A_21 : i32
    "tpu.region"() ({
      %run_scoped3A = tpu.sem_alloc : memref<!tpu.dma_semaphore, #tpu.memory_space<semaphore_mem>>
      %dma_start3A = arith.constant 0 : i32
      %dma_start3A_77 = tpu.memref_slice %arg14[%dma_start3A] : memref<80xf32, #tpu.memory_space<vmem>> -> memref<80xf32, #tpu.memory_space<vmem>>
      %dma_start3A_78 = tpu.memref_slice %arg16[%add3A_22] : memref<10240xf32, #tpu.memory_space<vmem_shared>> -> memref<80xf32, #tpu.memory_space<vmem_shared>>
      %dma_start3A_79 = tpu.memref_slice %arg16[%add3A_22] : memref<10240xf32, #tpu.memory_space<vmem_shared>> -> memref<80xf32, #tpu.memory_space<vmem_shared>>
      %dma_start3A_80 = arith.constant 0 : i32
      %dma_start3A_81 = tpu.memref_slice %arg14[%dma_start3A_80] : memref<80xf32, #tpu.memory_space<vmem>> -> memref<80xf32, #tpu.memory_space<vmem>>
      tpu.enqueue_dma source(%dma_start3A_81 : memref<80xf32, #tpu.memory_space<vmem>>) target(%dma_start3A_79 : memref<80xf32, #tpu.memory_space<vmem_shared>>) target_semaphore(%run_scoped3A : memref<!tpu.dma_semaphore, #tpu.memory_space<semaphore_mem>>)
      %dma_wait3A = arith.constant 0 : i32
      %dma_wait3A_82 = tpu.memref_slice %arg14[%dma_wait3A] : memref<80xf32, #tpu.memory_space<vmem>> -> memref<80xf32, #tpu.memory_space<vmem>>
      %dma_wait3A_83 = tpu.memref_slice %arg16[%add3A_22] : memref<10240xf32, #tpu.memory_space<vmem_shared>> -> memref<80xf32, #tpu.memory_space<vmem_shared>>
      %dma_wait3A_84 = tpu.memref_slice %arg16[%add3A_22] : memref<10240xf32, #tpu.memory_space<vmem_shared>> -> memref<80xf32, #tpu.memory_space<vmem_shared>>
      %dma_wait3A_85 = arith.constant 0 : i32
      %dma_wait3A_86 = tpu.memref_slice %arg14[%dma_wait3A_85] : memref<80xf32, #tpu.memory_space<vmem>> -> memref<80xf32, #tpu.memory_space<vmem>>
      tpu.wait_dma2 semaphore(%run_scoped3A : memref<!tpu.dma_semaphore, #tpu.memory_space<semaphore_mem>>) src(%dma_wait3A_86 : memref<80xf32, #tpu.memory_space<vmem>>) dst(%dma_wait3A_84 : memref<80xf32, #tpu.memory_space<vmem_shared>>)
      tpu.yield
    }) : () -> ()
    %add3A_23 = arith.constant 80 : i32
    %add3A_24 = arith.addi %mul3A_16, %add3A_23 : i32
    "tpu.region"() ({
      %run_scoped3A = tpu.sem_alloc : memref<!tpu.dma_semaphore, #tpu.memory_space<semaphore_mem>>
      %dma_start3A = arith.constant 0 : i32
      %dma_start3A_77 = arith.constant 0 : i32
      %dma_start3A_78 = tpu.memref_slice %arg10[%dma_start3A, %dma_start3A_77] : memref<80x128xf32, #tpu.memory_space<vmem>> -> memref<80x128xf32, #tpu.memory_space<vmem>>
      %dma_start3A_79 = arith.constant 0 : i32
      %dma_start3A_80 = tpu.memref_slice %arg15[%add3A_24, %dma_start3A_79] : memref<10120x128xf32, #tpu.memory_space<vmem_shared>> -> memref<80x128xf32, #tpu.memory_space<vmem_shared>>
      %dma_start3A_81 = arith.constant 0 : i32
      %dma_start3A_82 = tpu.memref_slice %arg15[%add3A_24, %dma_start3A_81] : memref<10120x128xf32, #tpu.memory_space<vmem_shared>> -> memref<80x128xf32, #tpu.memory_space<vmem_shared>>
      %dma_start3A_83 = arith.constant 0 : i32
      %dma_start3A_84 = arith.constant 0 : i32
      %dma_start3A_85 = tpu.memref_slice %arg10[%dma_start3A_83, %dma_start3A_84] : memref<80x128xf32, #tpu.memory_space<vmem>> -> memref<80x128xf32, #tpu.memory_space<vmem>>
      tpu.enqueue_dma source(%dma_start3A_85 : memref<80x128xf32, #tpu.memory_space<vmem>>) target(%dma_start3A_82 : memref<80x128xf32, #tpu.memory_space<vmem_shared>>) target_semaphore(%run_scoped3A : memref<!tpu.dma_semaphore, #tpu.memory_space<semaphore_mem>>)
      %dma_wait3A = arith.constant 0 : i32
      %dma_wait3A_86 = arith.constant 0 : i32
      %dma_wait3A_87 = tpu.memref_slice %arg10[%dma_wait3A, %dma_wait3A_86] : memref<80x128xf32, #tpu.memory_space<vmem>> -> memref<80x128xf32, #tpu.memory_space<vmem>>
      %dma_wait3A_88 = arith.constant 0 : i32
      %dma_wait3A_89 = tpu.memref_slice %arg15[%add3A_24, %dma_wait3A_88] : memref<10120x128xf32, #tpu.memory_space<vmem_shared>> -> memref<80x128xf32, #tpu.memory_space<vmem_shared>>
      %dma_wait3A_90 = arith.constant 0 : i32
      %dma_wait3A_91 = tpu.memref_slice %arg15[%add3A_24, %dma_wait3A_90] : memref<10120x128xf32, #tpu.memory_space<vmem_shared>> -> memref<80x128xf32, #tpu.memory_space<vmem_shared>>
      %dma_wait3A_92 = arith.constant 0 : i32
      %dma_wait3A_93 = arith.constant 0 : i32
      %dma_wait3A_94 = tpu.memref_slice %arg10[%dma_wait3A_92, %dma_wait3A_93] : memref<80x128xf32, #tpu.memory_space<vmem>> -> memref<80x128xf32, #tpu.memory_space<vmem>>
      tpu.wait_dma2 semaphore(%run_scoped3A : memref<!tpu.dma_semaphore, #tpu.memory_space<semaphore_mem>>) src(%dma_wait3A_94 : memref<80x128xf32, #tpu.memory_space<vmem>>) dst(%dma_wait3A_91 : memref<80x128xf32, #tpu.memory_space<vmem_shared>>)
      tpu.yield
    }) : () -> ()
    %add3A_25 = arith.constant 80 : i32
    %add3A_26 = arith.addi %mul3A_18, %add3A_25 : i32
    "tpu.region"() ({
      %run_scoped3A = tpu.sem_alloc : memref<!tpu.dma_semaphore, #tpu.memory_space<semaphore_mem>>
      %dma_start3A = arith.constant 0 : i32
      %dma_start3A_77 = tpu.memref_slice %arg14[%dma_start3A] : memref<80xf32, #tpu.memory_space<vmem>> -> memref<80xf32, #tpu.memory_space<vmem>>
      %dma_start3A_78 = tpu.memref_slice %arg16[%add3A_26] : memref<10240xf32, #tpu.memory_space<vmem_shared>> -> memref<80xf32, #tpu.memory_space<vmem_shared>>
      %dma_start3A_79 = tpu.memref_slice %arg16[%add3A_26] : memref<10240xf32, #tpu.memory_space<vmem_shared>> -> memref<80xf32, #tpu.memory_space<vmem_shared>>
      %dma_start3A_80 = arith.constant 0 : i32
      %dma_start3A_81 = tpu.memref_slice %arg14[%dma_start3A_80] : memref<80xf32, #tpu.memory_space<vmem>> -> memref<80xf32, #tpu.memory_space<vmem>>
      tpu.enqueue_dma source(%dma_start3A_81 : memref<80xf32, #tpu.memory_space<vmem>>) target(%dma_start3A_79 : memref<80xf32, #tpu.memory_space<vmem_shared>>) target_semaphore(%run_scoped3A : memref<!tpu.dma_semaphore, #tpu.memory_space<semaphore_mem>>)
      %dma_wait3A = arith.constant 0 : i32
      %dma_wait3A_82 = tpu.memref_slice %arg14[%dma_wait3A] : memref<80xf32, #tpu.memory_space<vmem>> -> memref<80xf32, #tpu.memory_space<vmem>>
      %dma_wait3A_83 = tpu.memref_slice %arg16[%add3A_26] : memref<10240xf32, #tpu.memory_space<vmem_shared>> -> memref<80xf32, #tpu.memory_space<vmem_shared>>
      %dma_wait3A_84 = tpu.memref_slice %arg16[%add3A_26] : memref<10240xf32, #tpu.memory_space<vmem_shared>> -> memref<80xf32, #tpu.memory_space<vmem_shared>>
      %dma_wait3A_85 = arith.constant 0 : i32
      %dma_wait3A_86 = tpu.memref_slice %arg14[%dma_wait3A_85] : memref<80xf32, #tpu.memory_space<vmem>> -> memref<80xf32, #tpu.memory_space<vmem>>
      tpu.wait_dma2 semaphore(%run_scoped3A : memref<!tpu.dma_semaphore, #tpu.memory_space<semaphore_mem>>) src(%dma_wait3A_86 : memref<80xf32, #tpu.memory_space<vmem>>) dst(%dma_wait3A_84 : memref<80xf32, #tpu.memory_space<vmem_shared>>)
      tpu.yield
    }) : () -> ()
    %add3A_27 = arith.constant 160 : i32
    %add3A_28 = arith.addi %mul3A_16, %add3A_27 : i32
    "tpu.region"() ({
      %run_scoped3A = tpu.sem_alloc : memref<!tpu.dma_semaphore, #tpu.memory_space<semaphore_mem>>
      %dma_start3A = arith.constant 0 : i32
      %dma_start3A_77 = arith.constant 0 : i32
      %dma_start3A_78 = tpu.memref_slice %arg10[%dma_start3A, %dma_start3A_77] : memref<80x128xf32, #tpu.memory_space<vmem>> -> memref<80x128xf32, #tpu.memory_space<vmem>>
      %dma_start3A_79 = arith.constant 0 : i32
      %dma_start3A_80 = tpu.memref_slice %arg15[%add3A_28, %dma_start3A_79] : memref<10120x128xf32, #tpu.memory_space<vmem_shared>> -> memref<80x128xf32, #tpu.memory_space<vmem_shared>>
      %dma_start3A_81 = arith.constant 0 : i32
      %dma_start3A_82 = tpu.memref_slice %arg15[%add3A_28, %dma_start3A_81] : memref<10120x128xf32, #tpu.memory_space<vmem_shared>> -> memref<80x128xf32, #tpu.memory_space<vmem_shared>>
      %dma_start3A_83 = arith.constant 0 : i32
      %dma_start3A_84 = arith.constant 0 : i32
      %dma_start3A_85 = tpu.memref_slice %arg10[%dma_start3A_83, %dma_start3A_84] : memref<80x128xf32, #tpu.memory_space<vmem>> -> memref<80x128xf32, #tpu.memory_space<vmem>>
      tpu.enqueue_dma source(%dma_start3A_85 : memref<80x128xf32, #tpu.memory_space<vmem>>) target(%dma_start3A_82 : memref<80x128xf32, #tpu.memory_space<vmem_shared>>) target_semaphore(%run_scoped3A : memref<!tpu.dma_semaphore, #tpu.memory_space<semaphore_mem>>)
      %dma_wait3A = arith.constant 0 : i32
      %dma_wait3A_86 = arith.constant 0 : i32
      %dma_wait3A_87 = tpu.memref_slice %arg10[%dma_wait3A, %dma_wait3A_86] : memref<80x128xf32, #tpu.memory_space<vmem>> -> memref<80x128xf32, #tpu.memory_space<vmem>>
      %dma_wait3A_88 = arith.constant 0 : i32
      %dma_wait3A_89 = tpu.memref_slice %arg15[%add3A_28, %dma_wait3A_88] : memref<10120x128xf32, #tpu.memory_space<vmem_shared>> -> memref<80x128xf32, #tpu.memory_space<vmem_shared>>
      %dma_wait3A_90 = arith.constant 0 : i32
      %dma_wait3A_91 = tpu.memref_slice %arg15[%add3A_28, %dma_wait3A_90] : memref<10120x128xf32, #tpu.memory_space<vmem_shared>> -> memref<80x128xf32, #tpu.memory_space<vmem_shared>>
      %dma_wait3A_92 = arith.constant 0 : i32
      %dma_wait3A_93 = arith.constant 0 : i32
      %dma_wait3A_94 = tpu.memref_slice %arg10[%dma_wait3A_92, %dma_wait3A_93] : memref<80x128xf32, #tpu.memory_space<vmem>> -> memref<80x128xf32, #tpu.memory_space<vmem>>
      tpu.wait_dma2 semaphore(%run_scoped3A : memref<!tpu.dma_semaphore, #tpu.memory_space<semaphore_mem>>) src(%dma_wait3A_94 : memref<80x128xf32, #tpu.memory_space<vmem>>) dst(%dma_wait3A_91 : memref<80x128xf32, #tpu.memory_space<vmem_shared>>)
      tpu.yield
    }) : () -> ()
    %add3A_29 = arith.constant 160 : i32
    %add3A_30 = arith.addi %mul3A_18, %add3A_29 : i32
    "tpu.region"() ({
      %run_scoped3A = tpu.sem_alloc : memref<!tpu.dma_semaphore, #tpu.memory_space<semaphore_mem>>
      %dma_start3A = arith.constant 0 : i32
      %dma_start3A_77 = tpu.memref_slice %arg14[%dma_start3A] : memref<80xf32, #tpu.memory_space<vmem>> -> memref<80xf32, #tpu.memory_space<vmem>>
      %dma_start3A_78 = tpu.memref_slice %arg16[%add3A_30] : memref<10240xf32, #tpu.memory_space<vmem_shared>> -> memref<80xf32, #tpu.memory_space<vmem_shared>>
      %dma_start3A_79 = tpu.memref_slice %arg16[%add3A_30] : memref<10240xf32, #tpu.memory_space<vmem_shared>> -> memref<80xf32, #tpu.memory_space<vmem_shared>>
      %dma_start3A_80 = arith.constant 0 : i32
      %dma_start3A_81 = tpu.memref_slice %arg14[%dma_start3A_80] : memref<80xf32, #tpu.memory_space<vmem>> -> memref<80xf32, #tpu.memory_space<vmem>>
      tpu.enqueue_dma source(%dma_start3A_81 : memref<80xf32, #tpu.memory_space<vmem>>) target(%dma_start3A_79 : memref<80xf32, #tpu.memory_space<vmem_shared>>) target_semaphore(%run_scoped3A : memref<!tpu.dma_semaphore, #tpu.memory_space<semaphore_mem>>)
      %dma_wait3A = arith.constant 0 : i32
      %dma_wait3A_82 = tpu.memref_slice %arg14[%dma_wait3A] : memref<80xf32, #tpu.memory_space<vmem>> -> memref<80xf32, #tpu.memory_space<vmem>>
      %dma_wait3A_83 = tpu.memref_slice %arg16[%add3A_30] : memref<10240xf32, #tpu.memory_space<vmem_shared>> -> memref<80xf32, #tpu.memory_space<vmem_shared>>
      %dma_wait3A_84 = tpu.memref_slice %arg16[%add3A_30] : memref<10240xf32, #tpu.memory_space<vmem_shared>> -> memref<80xf32, #tpu.memory_space<vmem_shared>>
      %dma_wait3A_85 = arith.constant 0 : i32
      %dma_wait3A_86 = tpu.memref_slice %arg14[%dma_wait3A_85] : memref<80xf32, #tpu.memory_space<vmem>> -> memref<80xf32, #tpu.memory_space<vmem>>
      tpu.wait_dma2 semaphore(%run_scoped3A : memref<!tpu.dma_semaphore, #tpu.memory_space<semaphore_mem>>) src(%dma_wait3A_86 : memref<80xf32, #tpu.memory_space<vmem>>) dst(%dma_wait3A_84 : memref<80xf32, #tpu.memory_space<vmem_shared>>)
      tpu.yield
    }) : () -> ()
    %add3A_31 = arith.constant 240 : i32
    %add3A_32 = arith.addi %mul3A_16, %add3A_31 : i32
    "tpu.region"() ({
      %run_scoped3A = tpu.sem_alloc : memref<!tpu.dma_semaphore, #tpu.memory_space<semaphore_mem>>
      %dma_start3A = arith.constant 0 : i32
      %dma_start3A_77 = arith.constant 0 : i32
      %dma_start3A_78 = tpu.memref_slice %arg10[%dma_start3A, %dma_start3A_77] : memref<80x128xf32, #tpu.memory_space<vmem>> -> memref<80x128xf32, #tpu.memory_space<vmem>>
      %dma_start3A_79 = arith.constant 0 : i32
      %dma_start3A_80 = tpu.memref_slice %arg15[%add3A_32, %dma_start3A_79] : memref<10120x128xf32, #tpu.memory_space<vmem_shared>> -> memref<80x128xf32, #tpu.memory_space<vmem_shared>>
      %dma_start3A_81 = arith.constant 0 : i32
      %dma_start3A_82 = tpu.memref_slice %arg15[%add3A_32, %dma_start3A_81] : memref<10120x128xf32, #tpu.memory_space<vmem_shared>> -> memref<80x128xf32, #tpu.memory_space<vmem_shared>>
      %dma_start3A_83 = arith.constant 0 : i32
      %dma_start3A_84 = arith.constant 0 : i32
      %dma_start3A_85 = tpu.memref_slice %arg10[%dma_start3A_83, %dma_start3A_84] : memref<80x128xf32, #tpu.memory_space<vmem>> -> memref<80x128xf32, #tpu.memory_space<vmem>>
      tpu.enqueue_dma source(%dma_start3A_85 : memref<80x128xf32, #tpu.memory_space<vmem>>) target(%dma_start3A_82 : memref<80x128xf32, #tpu.memory_space<vmem_shared>>) target_semaphore(%run_scoped3A : memref<!tpu.dma_semaphore, #tpu.memory_space<semaphore_mem>>)
      %dma_wait3A = arith.constant 0 : i32
      %dma_wait3A_86 = arith.constant 0 : i32
      %dma_wait3A_87 = tpu.memref_slice %arg10[%dma_wait3A, %dma_wait3A_86] : memref<80x128xf32, #tpu.memory_space<vmem>> -> memref<80x128xf32, #tpu.memory_space<vmem>>
      %dma_wait3A_88 = arith.constant 0 : i32
      %dma_wait3A_89 = tpu.memref_slice %arg15[%add3A_32, %dma_wait3A_88] : memref<10120x128xf32, #tpu.memory_space<vmem_shared>> -> memref<80x128xf32, #tpu.memory_space<vmem_shared>>
      %dma_wait3A_90 = arith.constant 0 : i32
      %dma_wait3A_91 = tpu.memref_slice %arg15[%add3A_32, %dma_wait3A_90] : memref<10120x128xf32, #tpu.memory_space<vmem_shared>> -> memref<80x128xf32, #tpu.memory_space<vmem_shared>>
      %dma_wait3A_92 = arith.constant 0 : i32
      %dma_wait3A_93 = arith.constant 0 : i32
      %dma_wait3A_94 = tpu.memref_slice %arg10[%dma_wait3A_92, %dma_wait3A_93] : memref<80x128xf32, #tpu.memory_space<vmem>> -> memref<80x128xf32, #tpu.memory_space<vmem>>
      tpu.wait_dma2 semaphore(%run_scoped3A : memref<!tpu.dma_semaphore, #tpu.memory_space<semaphore_mem>>) src(%dma_wait3A_94 : memref<80x128xf32, #tpu.memory_space<vmem>>) dst(%dma_wait3A_91 : memref<80x128xf32, #tpu.memory_space<vmem_shared>>)
      tpu.yield
    }) : () -> ()
    %add3A_33 = arith.constant 240 : i32
    %add3A_34 = arith.addi %mul3A_18, %add3A_33 : i32
    "tpu.region"() ({
      %run_scoped3A = tpu.sem_alloc : memref<!tpu.dma_semaphore, #tpu.memory_space<semaphore_mem>>
      %dma_start3A = arith.constant 0 : i32
      %dma_start3A_77 = tpu.memref_slice %arg14[%dma_start3A] : memref<80xf32, #tpu.memory_space<vmem>> -> memref<80xf32, #tpu.memory_space<vmem>>
      %dma_start3A_78 = tpu.memref_slice %arg16[%add3A_34] : memref<10240xf32, #tpu.memory_space<vmem_shared>> -> memref<80xf32, #tpu.memory_space<vmem_shared>>
      %dma_start3A_79 = tpu.memref_slice %arg16[%add3A_34] : memref<10240xf32, #tpu.memory_space<vmem_shared>> -> memref<80xf32, #tpu.memory_space<vmem_shared>>
      %dma_start3A_80 = arith.constant 0 : i32
      %dma_start3A_81 = tpu.memref_slice %arg14[%dma_start3A_80] : memref<80xf32, #tpu.memory_space<vmem>> -> memref<80xf32, #tpu.memory_space<vmem>>
      tpu.enqueue_dma source(%dma_start3A_81 : memref<80xf32, #tpu.memory_space<vmem>>) target(%dma_start3A_79 : memref<80xf32, #tpu.memory_space<vmem_shared>>) target_semaphore(%run_scoped3A : memref<!tpu.dma_semaphore, #tpu.memory_space<semaphore_mem>>)
      %dma_wait3A = arith.constant 0 : i32
      %dma_wait3A_82 = tpu.memref_slice %arg14[%dma_wait3A] : memref<80xf32, #tpu.memory_space<vmem>> -> memref<80xf32, #tpu.memory_space<vmem>>
      %dma_wait3A_83 = tpu.memref_slice %arg16[%add3A_34] : memref<10240xf32, #tpu.memory_space<vmem_shared>> -> memref<80xf32, #tpu.memory_space<vmem_shared>>
      %dma_wait3A_84 = tpu.memref_slice %arg16[%add3A_34] : memref<10240xf32, #tpu.memory_space<vmem_shared>> -> memref<80xf32, #tpu.memory_space<vmem_shared>>
      %dma_wait3A_85 = arith.constant 0 : i32
      %dma_wait3A_86 = tpu.memref_slice %arg14[%dma_wait3A_85] : memref<80xf32, #tpu.memory_space<vmem>> -> memref<80xf32, #tpu.memory_space<vmem>>
      tpu.wait_dma2 semaphore(%run_scoped3A : memref<!tpu.dma_semaphore, #tpu.memory_space<semaphore_mem>>) src(%dma_wait3A_86 : memref<80xf32, #tpu.memory_space<vmem>>) dst(%dma_wait3A_84 : memref<80xf32, #tpu.memory_space<vmem_shared>>)
      tpu.yield
    }) : () -> ()
    %add3A_35 = arith.constant 320 : i32
    %add3A_36 = arith.addi %mul3A_16, %add3A_35 : i32
    "tpu.region"() ({
      %run_scoped3A = tpu.sem_alloc : memref<!tpu.dma_semaphore, #tpu.memory_space<semaphore_mem>>
      %dma_start3A = arith.constant 0 : i32
      %dma_start3A_77 = arith.constant 0 : i32
      %dma_start3A_78 = tpu.memref_slice %arg10[%dma_start3A, %dma_start3A_77] : memref<80x128xf32, #tpu.memory_space<vmem>> -> memref<80x128xf32, #tpu.memory_space<vmem>>
      %dma_start3A_79 = arith.constant 0 : i32
      %dma_start3A_80 = tpu.memref_slice %arg15[%add3A_36, %dma_start3A_79] : memref<10120x128xf32, #tpu.memory_space<vmem_shared>> -> memref<80x128xf32, #tpu.memory_space<vmem_shared>>
      %dma_start3A_81 = arith.constant 0 : i32
      %dma_start3A_82 = tpu.memref_slice %arg15[%add3A_36, %dma_start3A_81] : memref<10120x128xf32, #tpu.memory_space<vmem_shared>> -> memref<80x128xf32, #tpu.memory_space<vmem_shared>>
      %dma_start3A_83 = arith.constant 0 : i32
      %dma_start3A_84 = arith.constant 0 : i32
      %dma_start3A_85 = tpu.memref_slice %arg10[%dma_start3A_83, %dma_start3A_84] : memref<80x128xf32, #tpu.memory_space<vmem>> -> memref<80x128xf32, #tpu.memory_space<vmem>>
      tpu.enqueue_dma source(%dma_start3A_85 : memref<80x128xf32, #tpu.memory_space<vmem>>) target(%dma_start3A_82 : memref<80x128xf32, #tpu.memory_space<vmem_shared>>) target_semaphore(%run_scoped3A : memref<!tpu.dma_semaphore, #tpu.memory_space<semaphore_mem>>)
      %dma_wait3A = arith.constant 0 : i32
      %dma_wait3A_86 = arith.constant 0 : i32
      %dma_wait3A_87 = tpu.memref_slice %arg10[%dma_wait3A, %dma_wait3A_86] : memref<80x128xf32, #tpu.memory_space<vmem>> -> memref<80x128xf32, #tpu.memory_space<vmem>>
      %dma_wait3A_88 = arith.constant 0 : i32
      %dma_wait3A_89 = tpu.memref_slice %arg15[%add3A_36, %dma_wait3A_88] : memref<10120x128xf32, #tpu.memory_space<vmem_shared>> -> memref<80x128xf32, #tpu.memory_space<vmem_shared>>
      %dma_wait3A_90 = arith.constant 0 : i32
      %dma_wait3A_91 = tpu.memref_slice %arg15[%add3A_36, %dma_wait3A_90] : memref<10120x128xf32, #tpu.memory_space<vmem_shared>> -> memref<80x128xf32, #tpu.memory_space<vmem_shared>>
      %dma_wait3A_92 = arith.constant 0 : i32
      %dma_wait3A_93 = arith.constant 0 : i32
      %dma_wait3A_94 = tpu.memref_slice %arg10[%dma_wait3A_92, %dma_wait3A_93] : memref<80x128xf32, #tpu.memory_space<vmem>> -> memref<80x128xf32, #tpu.memory_space<vmem>>
      tpu.wait_dma2 semaphore(%run_scoped3A : memref<!tpu.dma_semaphore, #tpu.memory_space<semaphore_mem>>) src(%dma_wait3A_94 : memref<80x128xf32, #tpu.memory_space<vmem>>) dst(%dma_wait3A_91 : memref<80x128xf32, #tpu.memory_space<vmem_shared>>)
      tpu.yield
    }) : () -> ()
    %add3A_37 = arith.constant 320 : i32
    %add3A_38 = arith.addi %mul3A_18, %add3A_37 : i32
    "tpu.region"() ({
      %run_scoped3A = tpu.sem_alloc : memref<!tpu.dma_semaphore, #tpu.memory_space<semaphore_mem>>
      %dma_start3A = arith.constant 0 : i32
      %dma_start3A_77 = tpu.memref_slice %arg14[%dma_start3A] : memref<80xf32, #tpu.memory_space<vmem>> -> memref<80xf32, #tpu.memory_space<vmem>>
      %dma_start3A_78 = tpu.memref_slice %arg16[%add3A_38] : memref<10240xf32, #tpu.memory_space<vmem_shared>> -> memref<80xf32, #tpu.memory_space<vmem_shared>>
      %dma_start3A_79 = tpu.memref_slice %arg16[%add3A_38] : memref<10240xf32, #tpu.memory_space<vmem_shared>> -> memref<80xf32, #tpu.memory_space<vmem_shared>>
      %dma_start3A_80 = arith.constant 0 : i32
      %dma_start3A_81 = tpu.memref_slice %arg14[%dma_start3A_80] : memref<80xf32, #tpu.memory_space<vmem>> -> memref<80xf32, #tpu.memory_space<vmem>>
      tpu.enqueue_dma source(%dma_start3A_81 : memref<80xf32, #tpu.memory_space<vmem>>) target(%dma_start3A_79 : memref<80xf32, #tpu.memory_space<vmem_shared>>) target_semaphore(%run_scoped3A : memref<!tpu.dma_semaphore, #tpu.memory_space<semaphore_mem>>)
      %dma_wait3A = arith.constant 0 : i32
      %dma_wait3A_82 = tpu.memref_slice %arg14[%dma_wait3A] : memref<80xf32, #tpu.memory_space<vmem>> -> memref<80xf32, #tpu.memory_space<vmem>>
      %dma_wait3A_83 = tpu.memref_slice %arg16[%add3A_38] : memref<10240xf32, #tpu.memory_space<vmem_shared>> -> memref<80xf32, #tpu.memory_space<vmem_shared>>
      %dma_wait3A_84 = tpu.memref_slice %arg16[%add3A_38] : memref<10240xf32, #tpu.memory_space<vmem_shared>> -> memref<80xf32, #tpu.memory_space<vmem_shared>>
      %dma_wait3A_85 = arith.constant 0 : i32
      %dma_wait3A_86 = tpu.memref_slice %arg14[%dma_wait3A_85] : memref<80xf32, #tpu.memory_space<vmem>> -> memref<80xf32, #tpu.memory_space<vmem>>
      tpu.wait_dma2 semaphore(%run_scoped3A : memref<!tpu.dma_semaphore, #tpu.memory_space<semaphore_mem>>) src(%dma_wait3A_86 : memref<80xf32, #tpu.memory_space<vmem>>) dst(%dma_wait3A_84 : memref<80xf32, #tpu.memory_space<vmem_shared>>)
      tpu.yield
    }) : () -> ()
    %add3A_39 = arith.constant 400 : i32
    %add3A_40 = arith.addi %mul3A_16, %add3A_39 : i32
    "tpu.region"() ({
      %run_scoped3A = tpu.sem_alloc : memref<!tpu.dma_semaphore, #tpu.memory_space<semaphore_mem>>
      %dma_start3A = arith.constant 0 : i32
      %dma_start3A_77 = arith.constant 0 : i32
      %dma_start3A_78 = tpu.memref_slice %arg10[%dma_start3A, %dma_start3A_77] : memref<80x128xf32, #tpu.memory_space<vmem>> -> memref<80x128xf32, #tpu.memory_space<vmem>>
      %dma_start3A_79 = arith.constant 0 : i32
      %dma_start3A_80 = tpu.memref_slice %arg15[%add3A_40, %dma_start3A_79] : memref<10120x128xf32, #tpu.memory_space<vmem_shared>> -> memref<80x128xf32, #tpu.memory_space<vmem_shared>>
      %dma_start3A_81 = arith.constant 0 : i32
      %dma_start3A_82 = tpu.memref_slice %arg15[%add3A_40, %dma_start3A_81] : memref<10120x128xf32, #tpu.memory_space<vmem_shared>> -> memref<80x128xf32, #tpu.memory_space<vmem_shared>>
      %dma_start3A_83 = arith.constant 0 : i32
      %dma_start3A_84 = arith.constant 0 : i32
      %dma_start3A_85 = tpu.memref_slice %arg10[%dma_start3A_83, %dma_start3A_84] : memref<80x128xf32, #tpu.memory_space<vmem>> -> memref<80x128xf32, #tpu.memory_space<vmem>>
      tpu.enqueue_dma source(%dma_start3A_85 : memref<80x128xf32, #tpu.memory_space<vmem>>) target(%dma_start3A_82 : memref<80x128xf32, #tpu.memory_space<vmem_shared>>) target_semaphore(%run_scoped3A : memref<!tpu.dma_semaphore, #tpu.memory_space<semaphore_mem>>)
      %dma_wait3A = arith.constant 0 : i32
      %dma_wait3A_86 = arith.constant 0 : i32
      %dma_wait3A_87 = tpu.memref_slice %arg10[%dma_wait3A, %dma_wait3A_86] : memref<80x128xf32, #tpu.memory_space<vmem>> -> memref<80x128xf32, #tpu.memory_space<vmem>>
      %dma_wait3A_88 = arith.constant 0 : i32
      %dma_wait3A_89 = tpu.memref_slice %arg15[%add3A_40, %dma_wait3A_88] : memref<10120x128xf32, #tpu.memory_space<vmem_shared>> -> memref<80x128xf32, #tpu.memory_space<vmem_shared>>
      %dma_wait3A_90 = arith.constant 0 : i32
      %dma_wait3A_91 = tpu.memref_slice %arg15[%add3A_40, %dma_wait3A_90] : memref<10120x128xf32, #tpu.memory_space<vmem_shared>> -> memref<80x128xf32, #tpu.memory_space<vmem_shared>>
      %dma_wait3A_92 = arith.constant 0 : i32
      %dma_wait3A_93 = arith.constant 0 : i32
      %dma_wait3A_94 = tpu.memref_slice %arg10[%dma_wait3A_92, %dma_wait3A_93] : memref<80x128xf32, #tpu.memory_space<vmem>> -> memref<80x128xf32, #tpu.memory_space<vmem>>
      tpu.wait_dma2 semaphore(%run_scoped3A : memref<!tpu.dma_semaphore, #tpu.memory_space<semaphore_mem>>) src(%dma_wait3A_94 : memref<80x128xf32, #tpu.memory_space<vmem>>) dst(%dma_wait3A_91 : memref<80x128xf32, #tpu.memory_space<vmem_shared>>)
      tpu.yield
    }) : () -> ()
    %add3A_41 = arith.constant 400 : i32
    %add3A_42 = arith.addi %mul3A_18, %add3A_41 : i32
    "tpu.region"() ({
      %run_scoped3A = tpu.sem_alloc : memref<!tpu.dma_semaphore, #tpu.memory_space<semaphore_mem>>
      %dma_start3A = arith.constant 0 : i32
      %dma_start3A_77 = tpu.memref_slice %arg14[%dma_start3A] : memref<80xf32, #tpu.memory_space<vmem>> -> memref<80xf32, #tpu.memory_space<vmem>>
      %dma_start3A_78 = tpu.memref_slice %arg16[%add3A_42] : memref<10240xf32, #tpu.memory_space<vmem_shared>> -> memref<80xf32, #tpu.memory_space<vmem_shared>>
      %dma_start3A_79 = tpu.memref_slice %arg16[%add3A_42] : memref<10240xf32, #tpu.memory_space<vmem_shared>> -> memref<80xf32, #tpu.memory_space<vmem_shared>>
      %dma_start3A_80 = arith.constant 0 : i32
      %dma_start3A_81 = tpu.memref_slice %arg14[%dma_start3A_80] : memref<80xf32, #tpu.memory_space<vmem>> -> memref<80xf32, #tpu.memory_space<vmem>>
      tpu.enqueue_dma source(%dma_start3A_81 : memref<80xf32, #tpu.memory_space<vmem>>) target(%dma_start3A_79 : memref<80xf32, #tpu.memory_space<vmem_shared>>) target_semaphore(%run_scoped3A : memref<!tpu.dma_semaphore, #tpu.memory_space<semaphore_mem>>)
      %dma_wait3A = arith.constant 0 : i32
      %dma_wait3A_82 = tpu.memref_slice %arg14[%dma_wait3A] : memref<80xf32, #tpu.memory_space<vmem>> -> memref<80xf32, #tpu.memory_space<vmem>>
      %dma_wait3A_83 = tpu.memref_slice %arg16[%add3A_42] : memref<10240xf32, #tpu.memory_space<vmem_shared>> -> memref<80xf32, #tpu.memory_space<vmem_shared>>
      %dma_wait3A_84 = tpu.memref_slice %arg16[%add3A_42] : memref<10240xf32, #tpu.memory_space<vmem_shared>> -> memref<80xf32, #tpu.memory_space<vmem_shared>>
      %dma_wait3A_85 = arith.constant 0 : i32
      %dma_wait3A_86 = tpu.memref_slice %arg14[%dma_wait3A_85] : memref<80xf32, #tpu.memory_space<vmem>> -> memref<80xf32, #tpu.memory_space<vmem>>
      tpu.wait_dma2 semaphore(%run_scoped3A : memref<!tpu.dma_semaphore, #tpu.memory_space<semaphore_mem>>) src(%dma_wait3A_86 : memref<80xf32, #tpu.memory_space<vmem>>) dst(%dma_wait3A_84 : memref<80xf32, #tpu.memory_space<vmem_shared>>)
      tpu.yield
    }) : () -> ()
    %add3A_43 = arith.constant 480 : i32
    %add3A_44 = arith.addi %mul3A_16, %add3A_43 : i32
    "tpu.region"() ({
      %run_scoped3A = tpu.sem_alloc : memref<!tpu.dma_semaphore, #tpu.memory_space<semaphore_mem>>
      %dma_start3A = arith.constant 0 : i32
      %dma_start3A_77 = arith.constant 0 : i32
      %dma_start3A_78 = tpu.memref_slice %arg10[%dma_start3A, %dma_start3A_77] : memref<80x128xf32, #tpu.memory_space<vmem>> -> memref<80x128xf32, #tpu.memory_space<vmem>>
      %dma_start3A_79 = arith.constant 0 : i32
      %dma_start3A_80 = tpu.memref_slice %arg15[%add3A_44, %dma_start3A_79] : memref<10120x128xf32, #tpu.memory_space<vmem_shared>> -> memref<80x128xf32, #tpu.memory_space<vmem_shared>>
      %dma_start3A_81 = arith.constant 0 : i32
      %dma_start3A_82 = tpu.memref_slice %arg15[%add3A_44, %dma_start3A_81] : memref<10120x128xf32, #tpu.memory_space<vmem_shared>> -> memref<80x128xf32, #tpu.memory_space<vmem_shared>>
      %dma_start3A_83 = arith.constant 0 : i32
      %dma_start3A_84 = arith.constant 0 : i32
      %dma_start3A_85 = tpu.memref_slice %arg10[%dma_start3A_83, %dma_start3A_84] : memref<80x128xf32, #tpu.memory_space<vmem>> -> memref<80x128xf32, #tpu.memory_space<vmem>>
      tpu.enqueue_dma source(%dma_start3A_85 : memref<80x128xf32, #tpu.memory_space<vmem>>) target(%dma_start3A_82 : memref<80x128xf32, #tpu.memory_space<vmem_shared>>) target_semaphore(%run_scoped3A : memref<!tpu.dma_semaphore, #tpu.memory_space<semaphore_mem>>)
      %dma_wait3A = arith.constant 0 : i32
      %dma_wait3A_86 = arith.constant 0 : i32
      %dma_wait3A_87 = tpu.memref_slice %arg10[%dma_wait3A, %dma_wait3A_86] : memref<80x128xf32, #tpu.memory_space<vmem>> -> memref<80x128xf32, #tpu.memory_space<vmem>>
      %dma_wait3A_88 = arith.constant 0 : i32
      %dma_wait3A_89 = tpu.memref_slice %arg15[%add3A_44, %dma_wait3A_88] : memref<10120x128xf32, #tpu.memory_space<vmem_shared>> -> memref<80x128xf32, #tpu.memory_space<vmem_shared>>
      %dma_wait3A_90 = arith.constant 0 : i32
      %dma_wait3A_91 = tpu.memref_slice %arg15[%add3A_44, %dma_wait3A_90] : memref<10120x128xf32, #tpu.memory_space<vmem_shared>> -> memref<80x128xf32, #tpu.memory_space<vmem_shared>>
      %dma_wait3A_92 = arith.constant 0 : i32
      %dma_wait3A_93 = arith.constant 0 : i32
      %dma_wait3A_94 = tpu.memref_slice %arg10[%dma_wait3A_92, %dma_wait3A_93] : memref<80x128xf32, #tpu.memory_space<vmem>> -> memref<80x128xf32, #tpu.memory_space<vmem>>
      tpu.wait_dma2 semaphore(%run_scoped3A : memref<!tpu.dma_semaphore, #tpu.memory_space<semaphore_mem>>) src(%dma_wait3A_94 : memref<80x128xf32, #tpu.memory_space<vmem>>) dst(%dma_wait3A_91 : memref<80x128xf32, #tpu.memory_space<vmem_shared>>)
      tpu.yield
    }) : () -> ()
    %add3A_45 = arith.constant 480 : i32
    %add3A_46 = arith.addi %mul3A_18, %add3A_45 : i32
    "tpu.region"() ({
      %run_scoped3A = tpu.sem_alloc : memref<!tpu.dma_semaphore, #tpu.memory_space<semaphore_mem>>
      %dma_start3A = arith.constant 0 : i32
      %dma_start3A_77 = tpu.memref_slice %arg14[%dma_start3A] : memref<80xf32, #tpu.memory_space<vmem>> -> memref<80xf32, #tpu.memory_space<vmem>>
      %dma_start3A_78 = tpu.memref_slice %arg16[%add3A_46] : memref<10240xf32, #tpu.memory_space<vmem_shared>> -> memref<80xf32, #tpu.memory_space<vmem_shared>>
      %dma_start3A_79 = tpu.memref_slice %arg16[%add3A_46] : memref<10240xf32, #tpu.memory_space<vmem_shared>> -> memref<80xf32, #tpu.memory_space<vmem_shared>>
      %dma_start3A_80 = arith.constant 0 : i32
      %dma_start3A_81 = tpu.memref_slice %arg14[%dma_start3A_80] : memref<80xf32, #tpu.memory_space<vmem>> -> memref<80xf32, #tpu.memory_space<vmem>>
      tpu.enqueue_dma source(%dma_start3A_81 : memref<80xf32, #tpu.memory_space<vmem>>) target(%dma_start3A_79 : memref<80xf32, #tpu.memory_space<vmem_shared>>) target_semaphore(%run_scoped3A : memref<!tpu.dma_semaphore, #tpu.memory_space<semaphore_mem>>)
      %dma_wait3A = arith.constant 0 : i32
      %dma_wait3A_82 = tpu.memref_slice %arg14[%dma_wait3A] : memref<80xf32, #tpu.memory_space<vmem>> -> memref<80xf32, #tpu.memory_space<vmem>>
      %dma_wait3A_83 = tpu.memref_slice %arg16[%add3A_46] : memref<10240xf32, #tpu.memory_space<vmem_shared>> -> memref<80xf32, #tpu.memory_space<vmem_shared>>
      %dma_wait3A_84 = tpu.memref_slice %arg16[%add3A_46] : memref<10240xf32, #tpu.memory_space<vmem_shared>> -> memref<80xf32, #tpu.memory_space<vmem_shared>>
      %dma_wait3A_85 = arith.constant 0 : i32
      %dma_wait3A_86 = tpu.memref_slice %arg14[%dma_wait3A_85] : memref<80xf32, #tpu.memory_space<vmem>> -> memref<80xf32, #tpu.memory_space<vmem>>
      tpu.wait_dma2 semaphore(%run_scoped3A : memref<!tpu.dma_semaphore, #tpu.memory_space<semaphore_mem>>) src(%dma_wait3A_86 : memref<80xf32, #tpu.memory_space<vmem>>) dst(%dma_wait3A_84 : memref<80xf32, #tpu.memory_space<vmem_shared>>)
      tpu.yield
    }) : () -> ()
    %add3A_47 = arith.constant 560 : i32
    %add3A_48 = arith.addi %mul3A_16, %add3A_47 : i32
    "tpu.region"() ({
      %run_scoped3A = tpu.sem_alloc : memref<!tpu.dma_semaphore, #tpu.memory_space<semaphore_mem>>
      %dma_start3A = arith.constant 0 : i32
      %dma_start3A_77 = arith.constant 0 : i32
      %dma_start3A_78 = tpu.memref_slice %arg10[%dma_start3A, %dma_start3A_77] : memref<80x128xf32, #tpu.memory_space<vmem>> -> memref<80x128xf32, #tpu.memory_space<vmem>>
      %dma_start3A_79 = arith.constant 0 : i32
      %dma_start3A_80 = tpu.memref_slice %arg15[%add3A_48, %dma_start3A_79] : memref<10120x128xf32, #tpu.memory_space<vmem_shared>> -> memref<80x128xf32, #tpu.memory_space<vmem_shared>>
      %dma_start3A_81 = arith.constant 0 : i32
      %dma_start3A_82 = tpu.memref_slice %arg15[%add3A_48, %dma_start3A_81] : memref<10120x128xf32, #tpu.memory_space<vmem_shared>> -> memref<80x128xf32, #tpu.memory_space<vmem_shared>>
      %dma_start3A_83 = arith.constant 0 : i32
      %dma_start3A_84 = arith.constant 0 : i32
      %dma_start3A_85 = tpu.memref_slice %arg10[%dma_start3A_83, %dma_start3A_84] : memref<80x128xf32, #tpu.memory_space<vmem>> -> memref<80x128xf32, #tpu.memory_space<vmem>>
      tpu.enqueue_dma source(%dma_start3A_85 : memref<80x128xf32, #tpu.memory_space<vmem>>) target(%dma_start3A_82 : memref<80x128xf32, #tpu.memory_space<vmem_shared>>) target_semaphore(%run_scoped3A : memref<!tpu.dma_semaphore, #tpu.memory_space<semaphore_mem>>)
      %dma_wait3A = arith.constant 0 : i32
      %dma_wait3A_86 = arith.constant 0 : i32
      %dma_wait3A_87 = tpu.memref_slice %arg10[%dma_wait3A, %dma_wait3A_86] : memref<80x128xf32, #tpu.memory_space<vmem>> -> memref<80x128xf32, #tpu.memory_space<vmem>>
      %dma_wait3A_88 = arith.constant 0 : i32
      %dma_wait3A_89 = tpu.memref_slice %arg15[%add3A_48, %dma_wait3A_88] : memref<10120x128xf32, #tpu.memory_space<vmem_shared>> -> memref<80x128xf32, #tpu.memory_space<vmem_shared>>
      %dma_wait3A_90 = arith.constant 0 : i32
      %dma_wait3A_91 = tpu.memref_slice %arg15[%add3A_48, %dma_wait3A_90] : memref<10120x128xf32, #tpu.memory_space<vmem_shared>> -> memref<80x128xf32, #tpu.memory_space<vmem_shared>>
      %dma_wait3A_92 = arith.constant 0 : i32
      %dma_wait3A_93 = arith.constant 0 : i32
      %dma_wait3A_94 = tpu.memref_slice %arg10[%dma_wait3A_92, %dma_wait3A_93] : memref<80x128xf32, #tpu.memory_space<vmem>> -> memref<80x128xf32, #tpu.memory_space<vmem>>
      tpu.wait_dma2 semaphore(%run_scoped3A : memref<!tpu.dma_semaphore, #tpu.memory_space<semaphore_mem>>) src(%dma_wait3A_94 : memref<80x128xf32, #tpu.memory_space<vmem>>) dst(%dma_wait3A_91 : memref<80x128xf32, #tpu.memory_space<vmem_shared>>)
      tpu.yield
    }) : () -> ()
    %add3A_49 = arith.constant 560 : i32
    %add3A_50 = arith.addi %mul3A_18, %add3A_49 : i32
    "tpu.region"() ({
      %run_scoped3A = tpu.sem_alloc : memref<!tpu.dma_semaphore, #tpu.memory_space<semaphore_mem>>
      %dma_start3A = arith.constant 0 : i32
      %dma_start3A_77 = tpu.memref_slice %arg14[%dma_start3A] : memref<80xf32, #tpu.memory_space<vmem>> -> memref<80xf32, #tpu.memory_space<vmem>>
      %dma_start3A_78 = tpu.memref_slice %arg16[%add3A_50] : memref<10240xf32, #tpu.memory_space<vmem_shared>> -> memref<80xf32, #tpu.memory_space<vmem_shared>>
      %dma_start3A_79 = tpu.memref_slice %arg16[%add3A_50] : memref<10240xf32, #tpu.memory_space<vmem_shared>> -> memref<80xf32, #tpu.memory_space<vmem_shared>>
      %dma_start3A_80 = arith.constant 0 : i32
      %dma_start3A_81 = tpu.memref_slice %arg14[%dma_start3A_80] : memref<80xf32, #tpu.memory_space<vmem>> -> memref<80xf32, #tpu.memory_space<vmem>>
      tpu.enqueue_dma source(%dma_start3A_81 : memref<80xf32, #tpu.memory_space<vmem>>) target(%dma_start3A_79 : memref<80xf32, #tpu.memory_space<vmem_shared>>) target_semaphore(%run_scoped3A : memref<!tpu.dma_semaphore, #tpu.memory_space<semaphore_mem>>)
      %dma_wait3A = arith.constant 0 : i32
      %dma_wait3A_82 = tpu.memref_slice %arg14[%dma_wait3A] : memref<80xf32, #tpu.memory_space<vmem>> -> memref<80xf32, #tpu.memory_space<vmem>>
      %dma_wait3A_83 = tpu.memref_slice %arg16[%add3A_50] : memref<10240xf32, #tpu.memory_space<vmem_shared>> -> memref<80xf32, #tpu.memory_space<vmem_shared>>
      %dma_wait3A_84 = tpu.memref_slice %arg16[%add3A_50] : memref<10240xf32, #tpu.memory_space<vmem_shared>> -> memref<80xf32, #tpu.memory_space<vmem_shared>>
      %dma_wait3A_85 = arith.constant 0 : i32
      %dma_wait3A_86 = tpu.memref_slice %arg14[%dma_wait3A_85] : memref<80xf32, #tpu.memory_space<vmem>> -> memref<80xf32, #tpu.memory_space<vmem>>
      tpu.wait_dma2 semaphore(%run_scoped3A : memref<!tpu.dma_semaphore, #tpu.memory_space<semaphore_mem>>) src(%dma_wait3A_86 : memref<80xf32, #tpu.memory_space<vmem>>) dst(%dma_wait3A_84 : memref<80xf32, #tpu.memory_space<vmem_shared>>)
      tpu.yield
    }) : () -> ()
    %broadcast_in_dim3A_51 = arith.constant 1.000000e+00 : f32
    %broadcast_in_dim3A_52 = vector.broadcast %broadcast_in_dim3A_51 : f32 to vector<16xf32>
    %scan3A_53 = arith.constant 0 : i32
    %scan3A_54 = arith.constant 0 : i32
    %scan3A_55 = arith.constant 5 : i32
    %scan3A_56 = arith.addi %scan3A_54, %scan3A_55 : i32
    %scan3A_57 = arith.constant 1 : i32
    %scan3A_58 = scf.for %scan3A_77 = %scan3A_54 to %scan3A_56 step %scan3A_57 iter_args(%scan3A_78 = %scan3A_53) -> (i32)  : i32 {
      %mul3A_79 = arith.constant 16 : i32
      %mul3A_80 = arith.muli %scan3A_77, %mul3A_79 : i32
      %swap3A = arith.index_cast %mul3A_80 : i32 to index
      %swap3A_81 = tpu.vector_load %arg14[%swap3A] {strides = array<i32>} : memref<80xf32, #tpu.memory_space<vmem>>, vector<16xf32>,
      %swap3A_82 = vector.shape_cast %swap3A_81 : vector<16xf32> to vector<16xf32>
      %swap3A_83 = vector.shape_cast %broadcast_in_dim3A_52 : vector<16xf32> to vector<16xf32>
      tpu.vector_store %arg14[%swap3A], %swap3A_83 {strides = array<i32>} : memref<80xf32, #tpu.memory_space<vmem>>, vector<16xf32>,
      %scan3A_84 = arith.constant 0 : i32
      scf.yield %scan3A_84 : i32
    }
    %scan3A_59 = arith.constant 5 : i32
    %barrier3A = arith.constant 0 : index
    tpu.barrier barrier_id(%barrier3A)
    %scan3A_60 = arith.constant 0 : i32
    %scan3A_61 = arith.constant 0 : i32
    %scan3A_62 = arith.constant 5 : i32
    %scan3A_63 = arith.addi %scan3A_61, %scan3A_62 : i32
    %scan3A_64 = arith.constant 1 : i32
    %scan3A_65 = scf.for %scan3A_77 = %scan3A_61 to %scan3A_63 step %scan3A_64 iter_args(%scan3A_78 = %scan3A_60) -> (i32)  : i32 {
      "tpu.region"() ({
        %run_scoped3A = tpu.sem_alloc : memref<!tpu.dma_semaphore, #tpu.memory_space<semaphore_mem>>
        %dma_start3A_171 = arith.constant 0 : i32
        %dma_start3A_172 = arith.constant 0 : i32
        %dma_start3A_173 = tpu.memref_slice %arg2[%add3A, %scan3A_77, %dma_start3A_171, %dma_start3A_172] : memref<32x5x25x80xi32, #tpu.memory_space<hbm>> -> memref<1x1x25x80xi32, #tpu.memory_space<hbm>>
        %dma_start3A_174 = tpu.memref_squeeze %dma_start3A_173 : memref<1x1x25x80xi32, #tpu.memory_space<hbm>> -> memref<25x80xi32, #tpu.memory_space<hbm>>
        %dma_start3A_175 = arith.constant 0 : i32
        %dma_start3A_176 = arith.constant 0 : i32
        %dma_start3A_177 = tpu.memref_slice %arg2[%add3A, %scan3A_77, %dma_start3A_175, %dma_start3A_176] : memref<32x5x25x80xi32, #tpu.memory_space<hbm>> -> memref<1x1x25x80xi32, #tpu.memory_space<hbm>>
        %dma_start3A_178 = tpu.memref_squeeze %dma_start3A_177 : memref<1x1x25x80xi32, #tpu.memory_space<hbm>> -> memref<25x80xi32, #tpu.memory_space<hbm>>
        tpu.enqueue_dma source(%dma_start3A_178 : memref<25x80xi32, #tpu.memory_space<hbm>>) target(%arg8 : memref<25x80xi32, #tpu.memory_space<vmem>>) target_semaphore(%run_scoped3A : memref<!tpu.dma_semaphore, #tpu.memory_space<semaphore_mem>>)
        %dma_wait3A_179 = arith.constant 0 : i32
        %dma_wait3A_180 = arith.constant 0 : i32
        %dma_wait3A_181 = tpu.memref_slice %arg2[%add3A, %scan3A_77, %dma_wait3A_179, %dma_wait3A_180] : memref<32x5x25x80xi32, #tpu.memory_space<hbm>> -> memref<1x1x25x80xi32, #tpu.memory_space<hbm>>
        %dma_wait3A_182 = tpu.memref_squeeze %dma_wait3A_181 : memref<1x1x25x80xi32, #tpu.memory_space<hbm>> -> memref<25x80xi32, #tpu.memory_space<hbm>>
        %dma_wait3A_183 = arith.constant 0 : i32
        %dma_wait3A_184 = arith.constant 0 : i32
        %dma_wait3A_185 = tpu.memref_slice %arg2[%add3A, %scan3A_77, %dma_wait3A_183, %dma_wait3A_184] : memref<32x5x25x80xi32, #tpu.memory_space<hbm>> -> memref<1x1x25x80xi32, #tpu.memory_space<hbm>>
        %dma_wait3A_186 = tpu.memref_squeeze %dma_wait3A_185 : memref<1x1x25x80xi32, #tpu.memory_space<hbm>> -> memref<25x80xi32, #tpu.memory_space<hbm>>
        tpu.wait_dma2 semaphore(%run_scoped3A : memref<!tpu.dma_semaphore, #tpu.memory_space<semaphore_mem>>) src(%dma_wait3A_186 : memref<25x80xi32, #tpu.memory_space<hbm>>) dst(%arg8 : memref<25x80xi32, #tpu.memory_space<vmem>>)
        tpu.yield
      }) : () -> ()
      "tpu.region"() ({
        %run_scoped3A = tpu.sem_alloc : memref<!tpu.dma_semaphore, #tpu.memory_space<semaphore_mem>>
        %dma_start3A_171 = arith.constant 0 : i32
        %dma_start3A_172 = arith.constant 0 : i32
        %dma_start3A_173 = tpu.memref_slice %arg3[%add3A, %scan3A_77, %dma_start3A_171, %dma_start3A_172] : memref<32x5x25x80xi32, #tpu.memory_space<hbm>> -> memref<1x1x25x80xi32, #tpu.memory_space<hbm>>
        %dma_start3A_174 = tpu.memref_squeeze %dma_start3A_173 : memref<1x1x25x80xi32, #tpu.memory_space<hbm>> -> memref<25x80xi32, #tpu.memory_space<hbm>>
        %dma_start3A_175 = arith.constant 0 : i32
        %dma_start3A_176 = arith.constant 0 : i32
        %dma_start3A_177 = tpu.memref_slice %arg3[%add3A, %scan3A_77, %dma_start3A_175, %dma_start3A_176] : memref<32x5x25x80xi32, #tpu.memory_space<hbm>> -> memref<1x1x25x80xi32, #tpu.memory_space<hbm>>
        %dma_start3A_178 = tpu.memref_squeeze %dma_start3A_177 : memref<1x1x25x80xi32, #tpu.memory_space<hbm>> -> memref<25x80xi32, #tpu.memory_space<hbm>>
        tpu.enqueue_dma source(%dma_start3A_178 : memref<25x80xi32, #tpu.memory_space<hbm>>) target(%arg9 : memref<25x80xi32, #tpu.memory_space<vmem>>) target_semaphore(%run_scoped3A : memref<!tpu.dma_semaphore, #tpu.memory_space<semaphore_mem>>)
        %dma_wait3A_179 = arith.constant 0 : i32
        %dma_wait3A_180 = arith.constant 0 : i32
        %dma_wait3A_181 = tpu.memref_slice %arg3[%add3A, %scan3A_77, %dma_wait3A_179, %dma_wait3A_180] : memref<32x5x25x80xi32, #tpu.memory_space<hbm>> -> memref<1x1x25x80xi32, #tpu.memory_space<hbm>>
        %dma_wait3A_182 = tpu.memref_squeeze %dma_wait3A_181 : memref<1x1x25x80xi32, #tpu.memory_space<hbm>> -> memref<25x80xi32, #tpu.memory_space<hbm>>
        %dma_wait3A_183 = arith.constant 0 : i32
        %dma_wait3A_184 = arith.constant 0 : i32
        %dma_wait3A_185 = tpu.memref_slice %arg3[%add3A, %scan3A_77, %dma_wait3A_183, %dma_wait3A_184] : memref<32x5x25x80xi32, #tpu.memory_space<hbm>> -> memref<1x1x25x80xi32, #tpu.memory_space<hbm>>
        %dma_wait3A_186 = tpu.memref_squeeze %dma_wait3A_185 : memref<1x1x25x80xi32, #tpu.memory_space<hbm>> -> memref<25x80xi32, #tpu.memory_space<hbm>>
        tpu.wait_dma2 semaphore(%run_scoped3A : memref<!tpu.dma_semaphore, #tpu.memory_space<semaphore_mem>>) src(%dma_wait3A_186 : memref<25x80xi32, #tpu.memory_space<hbm>>) dst(%arg9 : memref<25x80xi32, #tpu.memory_space<vmem>>)
        tpu.yield
      }) : () -> ()
      %scan3A_79 = arith.constant 0 : i32
      %scan3A_80 = arith.constant 0 : i32
      %scan3A_81 = arith.constant 12 : i32
      %scan3A_82 = arith.addi %scan3A_80, %scan3A_81 : i32
      %scan3A_83 = arith.constant 1 : i32
      %scan3A_84 = scf.for %scan3A_171 = %scan3A_80 to %scan3A_82 step %scan3A_83 iter_args(%scan3A_172 = %scan3A_79) -> (i32)  : i32 {
        %mul3A_173 = arith.constant 2 : i32
        %mul3A_174 = arith.muli %mul3A_173, %scan3A_171 : i32
        %mul3A_175 = arith.constant 2 : i32
        %mul3A_176 = arith.muli %mul3A_175, %scan3A_171 : i32
        %add3A_177 = arith.constant 1 : i32
        %add3A_178 = arith.addi %mul3A_176, %add3A_177 : i32
        %dma_start3A_179 = arith.constant 0 : i32
        %dma_start3A_180 = tpu.memref_slice %arg8[%mul3A_174, %dma_start3A_179] : memref<25x80xi32, #tpu.memory_space<vmem>> -> memref<1x80xi32, #tpu.memory_space<vmem>>
        %dma_start3A_181 = tpu.memref_squeeze %dma_start3A_180 : memref<1x80xi32, #tpu.memory_space<vmem>> -> memref<80xi32, #tpu.memory_space<vmem>>
        %dma_start3A_182 = arith.constant 0 : i32
        %dma_start3A_183 = arith.constant 0 : i32
        %dma_start3A_184 = tpu.memref_slice %arg4[%dma_start3A_182, %dma_start3A_183] : memref<10000x128xf32, #tpu.memory_space<hbm>> -> memref<10000x128xf32, #tpu.memory_space<hbm>>
        tpu.enqueue_indirect_dma source(%dma_start3A_184 : memref<10000x128xf32, #tpu.memory_space<hbm>>) target(%arg10 : memref<80x128xf32, #tpu.memory_space<vmem>>) offsets(%dma_start3A_181 : memref<80xi32, #tpu.memory_space<vmem>>) semaphore(%arg17 : memref<!tpu.dma_semaphore, #tpu.memory_space<semaphore_mem>>)
        %mul3A_185 = arith.constant 125 : i32
        %mul3A_186 = arith.muli %add3A, %mul3A_185 : i32
        %mul3A_187 = arith.constant 25 : i32
        %mul3A_188 = arith.muli %scan3A_77, %mul3A_187 : i32
        %add3A_189 = arith.addi %mul3A_186, %mul3A_188 : i32
        %add3A_190 = arith.addi %add3A_189, %mul3A_174 : i32
        %mul3A_191 = arith.constant 80 : i32
        %mul3A_192 = arith.muli %add3A_190, %mul3A_191 : i32
        %dma_start3A_193 = arith.constant 0 : i32
        %dma_start3A_194 = tpu.memref_slice %arg5[%mul3A_192, %dma_start3A_193] : memref<320000x128xf32, #tpu.memory_space<hbm>> -> memref<80x128xf32, #tpu.memory_space<hbm>>
        %dma_start3A_195 = arith.constant 0 : i32
        %dma_start3A_196 = tpu.memref_slice %arg5[%mul3A_192, %dma_start3A_195] : memref<320000x128xf32, #tpu.memory_space<hbm>> -> memref<80x128xf32, #tpu.memory_space<hbm>>
        tpu.enqueue_dma source(%dma_start3A_196 : memref<80x128xf32, #tpu.memory_space<hbm>>) target(%arg11 : memref<80x128xf32, #tpu.memory_space<vmem>>) target_semaphore(%arg18 : memref<!tpu.dma_semaphore, #tpu.memory_space<semaphore_mem>>)
        %gt3A = arith.constant 0 : i32
        %gt3A_197 = arith.cmpi sgt, %scan3A_171, %gt3A : i32
        %convert_element_type3A_198 = arith.extui %gt3A_197 : i1 to i32
        %cond3A_199 = arith.constant 0 : i32
        %cond3A_200 = arith.cmpi ne, %convert_element_type3A_198, %cond3A_199 : i32
        scf.if %cond3A_200 {
          %sub3A = arith.constant 2 : i32
          %sub3A_286 = arith.subi %add3A_178, %sub3A : i32
          %dma_wait3A_287 = arith.constant 0 : i32
          %dma_wait3A_288 = tpu.memref_slice %arg9[%sub3A_286, %dma_wait3A_287] : memref<25x80xi32, #tpu.memory_space<vmem>> -> memref<1x80xi32, #tpu.memory_space<vmem>>
          %dma_wait3A_289 = tpu.memref_squeeze %dma_wait3A_288 : memref<1x80xi32, #tpu.memory_space<vmem>> -> memref<80xi32, #tpu.memory_space<vmem>>
          %dma_wait3A_290 = arith.constant 0 : i32
          %dma_wait3A_291 = arith.constant 0 : i32
          %dma_wait3A_292 = tpu.memref_slice %arg15[%dma_wait3A_290, %dma_wait3A_291] : memref<10120x128xf32, #tpu.memory_space<vmem_shared>> -> memref<10120x128xf32, #tpu.memory_space<vmem_shared>>
          tpu.wait_indirect_dma semaphore(%arg22 : memref<!tpu.dma_semaphore, #tpu.memory_space<semaphore_mem>>) src(%arg12 : memref<80x128xf32, #tpu.memory_space<vmem>>) dst(%dma_wait3A_292 : memref<10120x128xf32, #tpu.memory_space<vmem_shared>>)
          %dma_wait3A_293 = arith.constant 0 : i32
          %dma_wait3A_294 = tpu.memref_slice %arg9[%sub3A_286, %dma_wait3A_293] : memref<25x80xi32, #tpu.memory_space<vmem>> -> memref<1x80xi32, #tpu.memory_space<vmem>>
          %dma_wait3A_295 = tpu.memref_squeeze %dma_wait3A_294 : memref<1x80xi32, #tpu.memory_space<vmem>> -> memref<80xi32, #tpu.memory_space<vmem>>
          %dma_wait3A_296 = arith.constant 0 : i32
          %dma_wait3A_297 = arith.constant 0 : i32
          %dma_wait3A_298 = tpu.memref_slice %arg15[%dma_wait3A_296, %dma_wait3A_297] : memref<10120x128xf32, #tpu.memory_space<vmem_shared>> -> memref<10120x128xf32, #tpu.memory_space<vmem_shared>>
          tpu.wait_indirect_dma semaphore(%arg22 : memref<!tpu.dma_semaphore, #tpu.memory_space<semaphore_mem>>) src(%arg13 : memref<80x128xf32, #tpu.memory_space<vmem>>) dst(%dma_wait3A_298 : memref<10120x128xf32, #tpu.memory_space<vmem_shared>>)
        } else {
        }
        %dma_start3A_201 = arith.constant 0 : i32
        %dma_start3A_202 = tpu.memref_slice %arg8[%add3A_178, %dma_start3A_201] : memref<25x80xi32, #tpu.memory_space<vmem>> -> memref<1x80xi32, #tpu.memory_space<vmem>>
        %dma_start3A_203 = tpu.memref_squeeze %dma_start3A_202 : memref<1x80xi32, #tpu.memory_space<vmem>> -> memref<80xi32, #tpu.memory_space<vmem>>
        %dma_start3A_204 = arith.constant 0 : i32
        %dma_start3A_205 = arith.constant 0 : i32
        %dma_start3A_206 = tpu.memref_slice %arg4[%dma_start3A_204, %dma_start3A_205] : memref<10000x128xf32, #tpu.memory_space<hbm>> -> memref<10000x128xf32, #tpu.memory_space<hbm>>
        tpu.enqueue_indirect_dma source(%dma_start3A_206 : memref<10000x128xf32, #tpu.memory_space<hbm>>) target(%arg12 : memref<80x128xf32, #tpu.memory_space<vmem>>) offsets(%dma_start3A_203 : memref<80xi32, #tpu.memory_space<vmem>>) semaphore(%arg20 : memref<!tpu.dma_semaphore, #tpu.memory_space<semaphore_mem>>)
        %mul3A_207 = arith.constant 125 : i32
        %mul3A_208 = arith.muli %add3A, %mul3A_207 : i32
        %mul3A_209 = arith.constant 25 : i32
        %mul3A_210 = arith.muli %scan3A_77, %mul3A_209 : i32
        %add3A_211 = arith.addi %mul3A_208, %mul3A_210 : i32
        %add3A_212 = arith.addi %add3A_211, %add3A_178 : i32
        %mul3A_213 = arith.constant 80 : i32
        %mul3A_214 = arith.muli %add3A_212, %mul3A_213 : i32
        %dma_start3A_215 = arith.constant 0 : i32
        %dma_start3A_216 = tpu.memref_slice %arg5[%mul3A_214, %dma_start3A_215] : memref<320000x128xf32, #tpu.memory_space<hbm>> -> memref<80x128xf32, #tpu.memory_space<hbm>>
        %dma_start3A_217 = arith.constant 0 : i32
        %dma_start3A_218 = tpu.memref_slice %arg5[%mul3A_214, %dma_start3A_217] : memref<320000x128xf32, #tpu.memory_space<hbm>> -> memref<80x128xf32, #tpu.memory_space<hbm>>
        tpu.enqueue_dma source(%dma_start3A_218 : memref<80x128xf32, #tpu.memory_space<hbm>>) target(%arg13 : memref<80x128xf32, #tpu.memory_space<vmem>>) target_semaphore(%arg21 : memref<!tpu.dma_semaphore, #tpu.memory_space<semaphore_mem>>)
        %dma_wait3A_219 = arith.constant 0 : i32
        %dma_wait3A_220 = tpu.memref_slice %arg8[%mul3A_174, %dma_wait3A_219] : memref<25x80xi32, #tpu.memory_space<vmem>> -> memref<1x80xi32, #tpu.memory_space<vmem>>
        %dma_wait3A_221 = tpu.memref_squeeze %dma_wait3A_220 : memref<1x80xi32, #tpu.memory_space<vmem>> -> memref<80xi32, #tpu.memory_space<vmem>>
        %dma_wait3A_222 = arith.constant 0 : i32
        %dma_wait3A_223 = arith.constant 0 : i32
        %dma_wait3A_224 = tpu.memref_slice %arg4[%dma_wait3A_222, %dma_wait3A_223] : memref<10000x128xf32, #tpu.memory_space<hbm>> -> memref<10000x128xf32, #tpu.memory_space<hbm>>
        tpu.wait_indirect_dma semaphore(%arg17 : memref<!tpu.dma_semaphore, #tpu.memory_space<semaphore_mem>>) src(%dma_wait3A_224 : memref<10000x128xf32, #tpu.memory_space<hbm>>) dst(%arg10 : memref<80x128xf32, #tpu.memory_space<vmem>>)
        %dma_wait3A_225 = arith.constant 0 : i32
        %dma_wait3A_226 = tpu.memref_slice %arg5[%mul3A_192, %dma_wait3A_225] : memref<320000x128xf32, #tpu.memory_space<hbm>> -> memref<80x128xf32, #tpu.memory_space<hbm>>
        %dma_wait3A_227 = arith.constant 0 : i32
        %dma_wait3A_228 = tpu.memref_slice %arg5[%mul3A_192, %dma_wait3A_227] : memref<320000x128xf32, #tpu.memory_space<hbm>> -> memref<80x128xf32, #tpu.memory_space<hbm>>
        tpu.wait_dma2 semaphore(%arg18 : memref<!tpu.dma_semaphore, #tpu.memory_space<semaphore_mem>>) src(%dma_wait3A_228 : memref<80x128xf32, #tpu.memory_space<hbm>>) dst(%arg11 : memref<80x128xf32, #tpu.memory_space<vmem>>)
        %dma_start3A_229 = arith.constant 0 : i32
        %dma_start3A_230 = tpu.memref_slice %arg9[%mul3A_174, %dma_start3A_229] : memref<25x80xi32, #tpu.memory_space<vmem>> -> memref<1x80xi32, #tpu.memory_space<vmem>>
        %dma_start3A_231 = tpu.memref_squeeze %dma_start3A_230 : memref<1x80xi32, #tpu.memory_space<vmem>> -> memref<80xi32, #tpu.memory_space<vmem>>
        %dma_start3A_232 = arith.constant 0 : i32
        %dma_start3A_233 = arith.constant 0 : i32
        %dma_start3A_234 = tpu.memref_slice %arg15[%dma_start3A_232, %dma_start3A_233] : memref<10120x128xf32, #tpu.memory_space<vmem_shared>> -> memref<10120x128xf32, #tpu.memory_space<vmem_shared>>
        tpu.enqueue_indirect_dma source(%arg10 : memref<80x128xf32, #tpu.memory_space<vmem>>) target(%dma_start3A_234 : memref<10120x128xf32, #tpu.memory_space<vmem_shared>>) offsets(%dma_start3A_231 : memref<80xi32, #tpu.memory_space<vmem>>) semaphore(%arg19 : memref<!tpu.dma_semaphore, #tpu.memory_space<semaphore_mem>>) {add = true}
        %dma_start3A_235 = arith.constant 0 : i32
        %dma_start3A_236 = tpu.memref_slice %arg9[%mul3A_174, %dma_start3A_235] : memref<25x80xi32, #tpu.memory_space<vmem>> -> memref<1x80xi32, #tpu.memory_space<vmem>>
        %dma_start3A_237 = tpu.memref_squeeze %dma_start3A_236 : memref<1x80xi32, #tpu.memory_space<vmem>> -> memref<80xi32, #tpu.memory_space<vmem>>
        %dma_start3A_238 = arith.constant 0 : i32
        %dma_start3A_239 = arith.constant 0 : i32
        %dma_start3A_240 = tpu.memref_slice %arg15[%dma_start3A_238, %dma_start3A_239] : memref<10120x128xf32, #tpu.memory_space<vmem_shared>> -> memref<10120x128xf32, #tpu.memory_space<vmem_shared>>
        tpu.enqueue_indirect_dma source(%arg11 : memref<80x128xf32, #tpu.memory_space<vmem>>) target(%dma_start3A_240 : memref<10120x128xf32, #tpu.memory_space<vmem_shared>>) offsets(%dma_start3A_237 : memref<80xi32, #tpu.memory_space<vmem>>) semaphore(%arg19 : memref<!tpu.dma_semaphore, #tpu.memory_space<semaphore_mem>>) {add = true}
        %dma_start3A_241 = arith.constant 0 : i32
        %dma_start3A_242 = tpu.memref_slice %arg9[%mul3A_174, %dma_start3A_241] : memref<25x80xi32, #tpu.memory_space<vmem>> -> memref<1x80xi32, #tpu.memory_space<vmem>>
        %dma_start3A_243 = tpu.memref_squeeze %dma_start3A_242 : memref<1x80xi32, #tpu.memory_space<vmem>> -> memref<80xi32, #tpu.memory_space<vmem>>
        %dma_start3A_244 = arith.constant 0 : i32
        %dma_start3A_245 = tpu.memref_slice %arg16[%dma_start3A_244] : memref<10240xf32, #tpu.memory_space<vmem_shared>> -> memref<10240xf32, #tpu.memory_space<vmem_shared>>
        tpu.enqueue_indirect_dma source(%arg14 : memref<80xf32, #tpu.memory_space<vmem>>) target(%dma_start3A_245 : memref<10240xf32, #tpu.memory_space<vmem_shared>>) offsets(%dma_start3A_243 : memref<80xi32, #tpu.memory_space<vmem>>) semaphore(%arg23 : memref<!tpu.dma_semaphore, #tpu.memory_space<semaphore_mem>>) {add = true}
        %dma_wait3A_246 = arith.constant 0 : i32
        %dma_wait3A_247 = tpu.memref_slice %arg8[%add3A_178, %dma_wait3A_246] : memref<25x80xi32, #tpu.memory_space<vmem>> -> memref<1x80xi32, #tpu.memory_space<vmem>>
        %dma_wait3A_248 = tpu.memref_squeeze %dma_wait3A_247 : memref<1x80xi32, #tpu.memory_space<vmem>> -> memref<80xi32, #tpu.memory_space<vmem>>
        %dma_wait3A_249 = arith.constant 0 : i32
        %dma_wait3A_250 = arith.constant 0 : i32
        %dma_wait3A_251 = tpu.memref_slice %arg4[%dma_wait3A_249, %dma_wait3A_250] : memref<10000x128xf32, #tpu.memory_space<hbm>> -> memref<10000x128xf32, #tpu.memory_space<hbm>>
        tpu.wait_indirect_dma semaphore(%arg20 : memref<!tpu.dma_semaphore, #tpu.memory_space<semaphore_mem>>) src(%dma_wait3A_251 : memref<10000x128xf32, #tpu.memory_space<hbm>>) dst(%arg12 : memref<80x128xf32, #tpu.memory_space<vmem>>)
        %dma_wait3A_252 = arith.constant 0 : i32
        %dma_wait3A_253 = tpu.memref_slice %arg5[%mul3A_214, %dma_wait3A_252] : memref<320000x128xf32, #tpu.memory_space<hbm>> -> memref<80x128xf32, #tpu.memory_space<hbm>>
        %dma_wait3A_254 = arith.constant 0 : i32
        %dma_wait3A_255 = tpu.memref_slice %arg5[%mul3A_214, %dma_wait3A_254] : memref<320000x128xf32, #tpu.memory_space<hbm>> -> memref<80x128xf32, #tpu.memory_space<hbm>>
        tpu.wait_dma2 semaphore(%arg21 : memref<!tpu.dma_semaphore, #tpu.memory_space<semaphore_mem>>) src(%dma_wait3A_255 : memref<80x128xf32, #tpu.memory_space<hbm>>) dst(%arg13 : memref<80x128xf32, #tpu.memory_space<vmem>>)
        %dma_start3A_256 = arith.constant 0 : i32
        %dma_start3A_257 = tpu.memref_slice %arg9[%add3A_178, %dma_start3A_256] : memref<25x80xi32, #tpu.memory_space<vmem>> -> memref<1x80xi32, #tpu.memory_space<vmem>>
        %dma_start3A_258 = tpu.memref_squeeze %dma_start3A_257 : memref<1x80xi32, #tpu.memory_space<vmem>> -> memref<80xi32, #tpu.memory_space<vmem>>
        %dma_start3A_259 = arith.constant 0 : i32
        %dma_start3A_260 = arith.constant 0 : i32
        %dma_start3A_261 = tpu.memref_slice %arg15[%dma_start3A_259, %dma_start3A_260] : memref<10120x128xf32, #tpu.memory_space<vmem_shared>> -> memref<10120x128xf32, #tpu.memory_space<vmem_shared>>
        tpu.enqueue_indirect_dma source(%arg12 : memref<80x128xf32, #tpu.memory_space<vmem>>) target(%dma_start3A_261 : memref<10120x128xf32, #tpu.memory_space<vmem_shared>>) offsets(%dma_start3A_258 : memref<80xi32, #tpu.memory_space<vmem>>) semaphore(%arg22 : memref<!tpu.dma_semaphore, #tpu.memory_space<semaphore_mem>>) {add = true}
        %dma_start3A_262 = arith.constant 0 : i32
        %dma_start3A_263 = tpu.memref_slice %arg9[%add3A_178, %dma_start3A_262] : memref<25x80xi32, #tpu.memory_space<vmem>> -> memref<1x80xi32, #tpu.memory_space<vmem>>
        %dma_start3A_264 = tpu.memref_squeeze %dma_start3A_263 : memref<1x80xi32, #tpu.memory_space<vmem>> -> memref<80xi32, #tpu.memory_space<vmem>>
        %dma_start3A_265 = arith.constant 0 : i32
        %dma_start3A_266 = arith.constant 0 : i32
        %dma_start3A_267 = tpu.memref_slice %arg15[%dma_start3A_265, %dma_start3A_266] : memref<10120x128xf32, #tpu.memory_space<vmem_shared>> -> memref<10120x128xf32, #tpu.memory_space<vmem_shared>>
        tpu.enqueue_indirect_dma source(%arg13 : memref<80x128xf32, #tpu.memory_space<vmem>>) target(%dma_start3A_267 : memref<10120x128xf32, #tpu.memory_space<vmem_shared>>) offsets(%dma_start3A_264 : memref<80xi32, #tpu.memory_space<vmem>>) semaphore(%arg22 : memref<!tpu.dma_semaphore, #tpu.memory_space<semaphore_mem>>) {add = true}
        %dma_start3A_268 = arith.constant 0 : i32
        %dma_start3A_269 = tpu.memref_slice %arg9[%add3A_178, %dma_start3A_268] : memref<25x80xi32, #tpu.memory_space<vmem>> -> memref<1x80xi32, #tpu.memory_space<vmem>>
        %dma_start3A_270 = tpu.memref_squeeze %dma_start3A_269 : memref<1x80xi32, #tpu.memory_space<vmem>> -> memref<80xi32, #tpu.memory_space<vmem>>
        %dma_start3A_271 = arith.constant 0 : i32
        %dma_start3A_272 = tpu.memref_slice %arg16[%dma_start3A_271] : memref<10240xf32, #tpu.memory_space<vmem_shared>> -> memref<10240xf32, #tpu.memory_space<vmem_shared>>
        tpu.enqueue_indirect_dma source(%arg14 : memref<80xf32, #tpu.memory_space<vmem>>) target(%dma_start3A_272 : memref<10240xf32, #tpu.memory_space<vmem_shared>>) offsets(%dma_start3A_270 : memref<80xi32, #tpu.memory_space<vmem>>) semaphore(%arg23 : memref<!tpu.dma_semaphore, #tpu.memory_space<semaphore_mem>>) {add = true}
        %dma_wait3A_273 = arith.constant 0 : i32
        %dma_wait3A_274 = tpu.memref_slice %arg9[%mul3A_174, %dma_wait3A_273] : memref<25x80xi32, #tpu.memory_space<vmem>> -> memref<1x80xi32, #tpu.memory_space<vmem>>
        %dma_wait3A_275 = tpu.memref_squeeze %dma_wait3A_274 : memref<1x80xi32, #tpu.memory_space<vmem>> -> memref<80xi32, #tpu.memory_space<vmem>>
        %dma_wait3A_276 = arith.constant 0 : i32
        %dma_wait3A_277 = arith.constant 0 : i32
        %dma_wait3A_278 = tpu.memref_slice %arg15[%dma_wait3A_276, %dma_wait3A_277] : memref<10120x128xf32, #tpu.memory_space<vmem_shared>> -> memref<10120x128xf32, #tpu.memory_space<vmem_shared>>
        tpu.wait_indirect_dma semaphore(%arg19 : memref<!tpu.dma_semaphore, #tpu.memory_space<semaphore_mem>>) src(%arg10 : memref<80x128xf32, #tpu.memory_space<vmem>>) dst(%dma_wait3A_278 : memref<10120x128xf32, #tpu.memory_space<vmem_shared>>)
        %dma_wait3A_279 = arith.constant 0 : i32
        %dma_wait3A_280 = tpu.memref_slice %arg9[%mul3A_174, %dma_wait3A_279] : memref<25x80xi32, #tpu.memory_space<vmem>> -> memref<1x80xi32, #tpu.memory_space<vmem>>
        %dma_wait3A_281 = tpu.memref_squeeze %dma_wait3A_280 : memref<1x80xi32, #tpu.memory_space<vmem>> -> memref<80xi32, #tpu.memory_space<vmem>>
        %dma_wait3A_282 = arith.constant 0 : i32
        %dma_wait3A_283 = arith.constant 0 : i32
        %dma_wait3A_284 = tpu.memref_slice %arg15[%dma_wait3A_282, %dma_wait3A_283] : memref<10120x128xf32, #tpu.memory_space<vmem_shared>> -> memref<10120x128xf32, #tpu.memory_space<vmem_shared>>
        tpu.wait_indirect_dma semaphore(%arg19 : memref<!tpu.dma_semaphore, #tpu.memory_space<semaphore_mem>>) src(%arg11 : memref<80x128xf32, #tpu.memory_space<vmem>>) dst(%dma_wait3A_284 : memref<10120x128xf32, #tpu.memory_space<vmem_shared>>)
        %scan3A_285 = arith.constant 0 : i32
        scf.yield %scan3A_285 : i32
      }
      %scan3A_85 = arith.constant 12 : i32
      %dma_start3A = arith.constant 24 : i32
      %dma_start3A_86 = arith.constant 0 : i32
      %dma_start3A_87 = tpu.memref_slice %arg8[%dma_start3A, %dma_start3A_86] : memref<25x80xi32, #tpu.memory_space<vmem>> -> memref<1x80xi32, #tpu.memory_space<vmem>>
      %dma_start3A_88 = tpu.memref_squeeze %dma_start3A_87 : memref<1x80xi32, #tpu.memory_space<vmem>> -> memref<80xi32, #tpu.memory_space<vmem>>
      %dma_start3A_89 = arith.constant 0 : i32
      %dma_start3A_90 = arith.constant 0 : i32
      %dma_start3A_91 = tpu.memref_slice %arg4[%dma_start3A_89, %dma_start3A_90] : memref<10000x128xf32, #tpu.memory_space<hbm>> -> memref<10000x128xf32, #tpu.memory_space<hbm>>
      tpu.enqueue_indirect_dma source(%dma_start3A_91 : memref<10000x128xf32, #tpu.memory_space<hbm>>) target(%arg10 : memref<80x128xf32, #tpu.memory_space<vmem>>) offsets(%dma_start3A_88 : memref<80xi32, #tpu.memory_space<vmem>>) semaphore(%arg17 : memref<!tpu.dma_semaphore, #tpu.memory_space<semaphore_mem>>)
      %mul3A_92 = arith.constant 125 : i32
      %mul3A_93 = arith.muli %add3A, %mul3A_92 : i32
      %mul3A_94 = arith.constant 25 : i32
      %mul3A_95 = arith.muli %scan3A_77, %mul3A_94 : i32
      %add3A_96 = arith.addi %mul3A_93, %mul3A_95 : i32
      %add3A_97 = arith.constant 24 : i32
      %add3A_98 = arith.addi %add3A_96, %add3A_97 : i32
      %mul3A_99 = arith.constant 80 : i32
      %mul3A_100 = arith.muli %add3A_98, %mul3A_99 : i32
      %dma_start3A_101 = arith.constant 0 : i32
      %dma_start3A_102 = tpu.memref_slice %arg5[%mul3A_100, %dma_start3A_101] : memref<320000x128xf32, #tpu.memory_space<hbm>> -> memref<80x128xf32, #tpu.memory_space<hbm>>
      %dma_start3A_103 = arith.constant 0 : i32
      %dma_start3A_104 = tpu.memref_slice %arg5[%mul3A_100, %dma_start3A_103] : memref<320000x128xf32, #tpu.memory_space<hbm>> -> memref<80x128xf32, #tpu.memory_space<hbm>>
      tpu.enqueue_dma source(%dma_start3A_104 : memref<80x128xf32, #tpu.memory_space<hbm>>) target(%arg11 : memref<80x128xf32, #tpu.memory_space<vmem>>) target_semaphore(%arg18 : memref<!tpu.dma_semaphore, #tpu.memory_space<semaphore_mem>>)
      %dma_wait3A = arith.constant 22 : i32
      %dma_wait3A_105 = arith.constant 0 : i32
      %dma_wait3A_106 = tpu.memref_slice %arg9[%dma_wait3A, %dma_wait3A_105] : memref<25x80xi32, #tpu.memory_space<vmem>> -> memref<1x80xi32, #tpu.memory_space<vmem>>
      %dma_wait3A_107 = tpu.memref_squeeze %dma_wait3A_106 : memref<1x80xi32, #tpu.memory_space<vmem>> -> memref<80xi32, #tpu.memory_space<vmem>>
      %dma_wait3A_108 = arith.constant 0 : i32
      %dma_wait3A_109 = arith.constant 0 : i32
      %dma_wait3A_110 = tpu.memref_slice %arg15[%dma_wait3A_108, %dma_wait3A_109] : memref<10120x128xf32, #tpu.memory_space<vmem_shared>> -> memref<10120x128xf32, #tpu.memory_space<vmem_shared>>
      tpu.wait_indirect_dma semaphore(%arg22 : memref<!tpu.dma_semaphore, #tpu.memory_space<semaphore_mem>>) src(%arg12 : memref<80x128xf32, #tpu.memory_space<vmem>>) dst(%dma_wait3A_110 : memref<10120x128xf32, #tpu.memory_space<vmem_shared>>)
      %dma_wait3A_111 = arith.constant 22 : i32
      %dma_wait3A_112 = arith.constant 0 : i32
      %dma_wait3A_113 = tpu.memref_slice %arg9[%dma_wait3A_111, %dma_wait3A_112] : memref<25x80xi32, #tpu.memory_space<vmem>> -> memref<1x80xi32, #tpu.memory_space<vmem>>
      %dma_wait3A_114 = tpu.memref_squeeze %dma_wait3A_113 : memref<1x80xi32, #tpu.memory_space<vmem>> -> memref<80xi32, #tpu.memory_space<vmem>>
      %dma_wait3A_115 = arith.constant 0 : i32
      %dma_wait3A_116 = arith.constant 0 : i32
      %dma_wait3A_117 = tpu.memref_slice %arg15[%dma_wait3A_115, %dma_wait3A_116] : memref<10120x128xf32, #tpu.memory_space<vmem_shared>> -> memref<10120x128xf32, #tpu.memory_space<vmem_shared>>
      tpu.wait_indirect_dma semaphore(%arg22 : memref<!tpu.dma_semaphore, #tpu.memory_space<semaphore_mem>>) src(%arg13 : memref<80x128xf32, #tpu.memory_space<vmem>>) dst(%dma_wait3A_117 : memref<10120x128xf32, #tpu.memory_space<vmem_shared>>)
      %dma_wait3A_118 = arith.constant 24 : i32
      %dma_wait3A_119 = arith.constant 0 : i32
      %dma_wait3A_120 = tpu.memref_slice %arg8[%dma_wait3A_118, %dma_wait3A_119] : memref<25x80xi32, #tpu.memory_space<vmem>> -> memref<1x80xi32, #tpu.memory_space<vmem>>
      %dma_wait3A_121 = tpu.memref_squeeze %dma_wait3A_120 : memref<1x80xi32, #tpu.memory_space<vmem>> -> memref<80xi32, #tpu.memory_space<vmem>>
      %dma_wait3A_122 = arith.constant 0 : i32
      %dma_wait3A_123 = arith.constant 0 : i32
      %dma_wait3A_124 = tpu.memref_slice %arg4[%dma_wait3A_122, %dma_wait3A_123] : memref<10000x128xf32, #tpu.memory_space<hbm>> -> memref<10000x128xf32, #tpu.memory_space<hbm>>
      tpu.wait_indirect_dma semaphore(%arg17 : memref<!tpu.dma_semaphore, #tpu.memory_space<semaphore_mem>>) src(%dma_wait3A_124 : memref<10000x128xf32, #tpu.memory_space<hbm>>) dst(%arg10 : memref<80x128xf32, #tpu.memory_space<vmem>>)
      %dma_wait3A_125 = arith.constant 0 : i32
      %dma_wait3A_126 = tpu.memref_slice %arg5[%mul3A_100, %dma_wait3A_125] : memref<320000x128xf32, #tpu.memory_space<hbm>> -> memref<80x128xf32, #tpu.memory_space<hbm>>
      %dma_wait3A_127 = arith.constant 0 : i32
      %dma_wait3A_128 = tpu.memref_slice %arg5[%mul3A_100, %dma_wait3A_127] : memref<320000x128xf32, #tpu.memory_space<hbm>> -> memref<80x128xf32, #tpu.memory_space<hbm>>
      tpu.wait_dma2 semaphore(%arg18 : memref<!tpu.dma_semaphore, #tpu.memory_space<semaphore_mem>>) src(%dma_wait3A_128 : memref<80x128xf32, #tpu.memory_space<hbm>>) dst(%arg11 : memref<80x128xf32, #tpu.memory_space<vmem>>)
      %dma_start3A_129 = arith.constant 24 : i32
      %dma_start3A_130 = arith.constant 0 : i32
      %dma_start3A_131 = tpu.memref_slice %arg9[%dma_start3A_129, %dma_start3A_130] : memref<25x80xi32, #tpu.memory_space<vmem>> -> memref<1x80xi32, #tpu.memory_space<vmem>>
      %dma_start3A_132 = tpu.memref_squeeze %dma_start3A_131 : memref<1x80xi32, #tpu.memory_space<vmem>> -> memref<80xi32, #tpu.memory_space<vmem>>
      %dma_start3A_133 = arith.constant 0 : i32
      %dma_start3A_134 = arith.constant 0 : i32
      %dma_start3A_135 = tpu.memref_slice %arg15[%dma_start3A_133, %dma_start3A_134] : memref<10120x128xf32, #tpu.memory_space<vmem_shared>> -> memref<10120x128xf32, #tpu.memory_space<vmem_shared>>
      tpu.enqueue_indirect_dma source(%arg10 : memref<80x128xf32, #tpu.memory_space<vmem>>) target(%dma_start3A_135 : memref<10120x128xf32, #tpu.memory_space<vmem_shared>>) offsets(%dma_start3A_132 : memref<80xi32, #tpu.memory_space<vmem>>) semaphore(%arg19 : memref<!tpu.dma_semaphore, #tpu.memory_space<semaphore_mem>>) {add = true}
      %dma_start3A_136 = arith.constant 24 : i32
      %dma_start3A_137 = arith.constant 0 : i32
      %dma_start3A_138 = tpu.memref_slice %arg9[%dma_start3A_136, %dma_start3A_137] : memref<25x80xi32, #tpu.memory_space<vmem>> -> memref<1x80xi32, #tpu.memory_space<vmem>>
      %dma_start3A_139 = tpu.memref_squeeze %dma_start3A_138 : memref<1x80xi32, #tpu.memory_space<vmem>> -> memref<80xi32, #tpu.memory_space<vmem>>
      %dma_start3A_140 = arith.constant 0 : i32
      %dma_start3A_141 = arith.constant 0 : i32
      %dma_start3A_142 = tpu.memref_slice %arg15[%dma_start3A_140, %dma_start3A_141] : memref<10120x128xf32, #tpu.memory_space<vmem_shared>> -> memref<10120x128xf32, #tpu.memory_space<vmem_shared>>
      tpu.enqueue_indirect_dma source(%arg11 : memref<80x128xf32, #tpu.memory_space<vmem>>) target(%dma_start3A_142 : memref<10120x128xf32, #tpu.memory_space<vmem_shared>>) offsets(%dma_start3A_139 : memref<80xi32, #tpu.memory_space<vmem>>) semaphore(%arg19 : memref<!tpu.dma_semaphore, #tpu.memory_space<semaphore_mem>>) {add = true}
      %dma_start3A_143 = arith.constant 24 : i32
      %dma_start3A_144 = arith.constant 0 : i32
      %dma_start3A_145 = tpu.memref_slice %arg9[%dma_start3A_143, %dma_start3A_144] : memref<25x80xi32, #tpu.memory_space<vmem>> -> memref<1x80xi32, #tpu.memory_space<vmem>>
      %dma_start3A_146 = tpu.memref_squeeze %dma_start3A_145 : memref<1x80xi32, #tpu.memory_space<vmem>> -> memref<80xi32, #tpu.memory_space<vmem>>
      %dma_start3A_147 = arith.constant 0 : i32
      %dma_start3A_148 = tpu.memref_slice %arg16[%dma_start3A_147] : memref<10240xf32, #tpu.memory_space<vmem_shared>> -> memref<10240xf32, #tpu.memory_space<vmem_shared>>
      tpu.enqueue_indirect_dma source(%arg14 : memref<80xf32, #tpu.memory_space<vmem>>) target(%dma_start3A_148 : memref<10240xf32, #tpu.memory_space<vmem_shared>>) offsets(%dma_start3A_146 : memref<80xi32, #tpu.memory_space<vmem>>) semaphore(%arg23 : memref<!tpu.dma_semaphore, #tpu.memory_space<semaphore_mem>>) {add = true}
      %dma_wait3A_149 = arith.constant 24 : i32
      %dma_wait3A_150 = arith.constant 0 : i32
      %dma_wait3A_151 = tpu.memref_slice %arg9[%dma_wait3A_149, %dma_wait3A_150] : memref<25x80xi32, #tpu.memory_space<vmem>> -> memref<1x80xi32, #tpu.memory_space<vmem>>
      %dma_wait3A_152 = tpu.memref_squeeze %dma_wait3A_151 : memref<1x80xi32, #tpu.memory_space<vmem>> -> memref<80xi32, #tpu.memory_space<vmem>>
      %dma_wait3A_153 = arith.constant 0 : i32
      %dma_wait3A_154 = arith.constant 0 : i32
      %dma_wait3A_155 = tpu.memref_slice %arg15[%dma_wait3A_153, %dma_wait3A_154] : memref<10120x128xf32, #tpu.memory_space<vmem_shared>> -> memref<10120x128xf32, #tpu.memory_space<vmem_shared>>
      tpu.wait_indirect_dma semaphore(%arg19 : memref<!tpu.dma_semaphore, #tpu.memory_space<semaphore_mem>>) src(%arg10 : memref<80x128xf32, #tpu.memory_space<vmem>>) dst(%dma_wait3A_155 : memref<10120x128xf32, #tpu.memory_space<vmem_shared>>)
      %dma_wait3A_156 = arith.constant 24 : i32
      %dma_wait3A_157 = arith.constant 0 : i32
      %dma_wait3A_158 = tpu.memref_slice %arg9[%dma_wait3A_156, %dma_wait3A_157] : memref<25x80xi32, #tpu.memory_space<vmem>> -> memref<1x80xi32, #tpu.memory_space<vmem>>
      %dma_wait3A_159 = tpu.memref_squeeze %dma_wait3A_158 : memref<1x80xi32, #tpu.memory_space<vmem>> -> memref<80xi32, #tpu.memory_space<vmem>>
      %dma_wait3A_160 = arith.constant 0 : i32
      %dma_wait3A_161 = arith.constant 0 : i32
      %dma_wait3A_162 = tpu.memref_slice %arg15[%dma_wait3A_160, %dma_wait3A_161] : memref<10120x128xf32, #tpu.memory_space<vmem_shared>> -> memref<10120x128xf32, #tpu.memory_space<vmem_shared>>
      tpu.wait_indirect_dma semaphore(%arg19 : memref<!tpu.dma_semaphore, #tpu.memory_space<semaphore_mem>>) src(%arg11 : memref<80x128xf32, #tpu.memory_space<vmem>>) dst(%dma_wait3A_162 : memref<10120x128xf32, #tpu.memory_space<vmem_shared>>)
      %scan3A_163 = arith.constant 0 : i32
      %scan3A_164 = arith.constant 0 : i32
      %scan3A_165 = arith.constant 25 : i32
      %scan3A_166 = arith.addi %scan3A_164, %scan3A_165 : i32
      %scan3A_167 = arith.constant 1 : i32
      %scan3A_168 = scf.for %scan3A_171 = %scan3A_164 to %scan3A_166 step %scan3A_167 iter_args(%scan3A_172 = %scan3A_163) -> (i32)  : i32 {
        %dma_wait3A_173 = arith.constant 0 : i32
        %dma_wait3A_174 = tpu.memref_slice %arg9[%scan3A_171, %dma_wait3A_173] : memref<25x80xi32, #tpu.memory_space<vmem>> -> memref<1x80xi32, #tpu.memory_space<vmem>>
        %dma_wait3A_175 = tpu.memref_squeeze %dma_wait3A_174 : memref<1x80xi32, #tpu.memory_space<vmem>> -> memref<80xi32, #tpu.memory_space<vmem>>
        %dma_wait3A_176 = arith.constant 0 : i32
        %dma_wait3A_177 = tpu.memref_slice %arg16[%dma_wait3A_176] : memref<10240xf32, #tpu.memory_space<vmem_shared>> -> memref<10240xf32, #tpu.memory_space<vmem_shared>>
        tpu.wait_indirect_dma semaphore(%arg23 : memref<!tpu.dma_semaphore, #tpu.memory_space<semaphore_mem>>) src(%arg14 : memref<80xf32, #tpu.memory_space<vmem>>) dst(%dma_wait3A_177 : memref<10240xf32, #tpu.memory_space<vmem_shared>>)
        %scan3A_178 = arith.constant 0 : i32
        scf.yield %scan3A_178 : i32
      }
      %scan3A_169 = arith.constant 25 : i32
      %scan3A_170 = arith.constant 0 : i32
      scf.yield %scan3A_170 : i32
    }
    %scan3A_66 = arith.constant 5 : i32
    %barrier3A_67 = arith.constant 0 : index
    tpu.barrier barrier_id(%barrier3A_67)
    %mul3A_68 = arith.constant 10240 : i32
    %mul3A_69 = arith.muli %arg0, %mul3A_68 : i32
    %add3A_70 = arith.addi %mul3A_69, %mul3A_18 : i32
    "tpu.region"() ({
      %run_scoped3A = tpu.sem_alloc : memref<!tpu.dma_semaphore, #tpu.memory_space<semaphore_mem>>
      %dma_start3A = tpu.memref_slice %arg7[%add3A_70] : memref<20480xf32, #tpu.memory_space<hbm>> -> memref<640xf32, #tpu.memory_space<hbm>>
      %dma_start3A_77 = tpu.memref_slice %arg16[%mul3A_18] : memref<10240xf32, #tpu.memory_space<vmem_shared>> -> memref<640xf32, #tpu.memory_space<vmem_shared>>
      tpu.enqueue_dma source(%dma_start3A_77 : memref<640xf32, #tpu.memory_space<vmem_shared>>) target(%dma_start3A : memref<640xf32, #tpu.memory_space<hbm>>) target_semaphore(%run_scoped3A : memref<!tpu.dma_semaphore, #tpu.memory_space<semaphore_mem>>)
      %dma_wait3A = tpu.memref_slice %arg7[%add3A_70] : memref<20480xf32, #tpu.memory_space<hbm>> -> memref<640xf32, #tpu.memory_space<hbm>>
      %dma_wait3A_78 = tpu.memref_slice %arg16[%mul3A_18] : memref<10240xf32, #tpu.memory_space<vmem_shared>> -> memref<640xf32, #tpu.memory_space<vmem_shared>>
      tpu.wait_dma2 semaphore(%run_scoped3A : memref<!tpu.dma_semaphore, #tpu.memory_space<semaphore_mem>>) src(%dma_wait3A_78 : memref<640xf32, #tpu.memory_space<vmem_shared>>) dst(%dma_wait3A : memref<640xf32, #tpu.memory_space<hbm>>)
      tpu.yield
    }) : () -> ()
    %lt3A = arith.constant 15 : i32
    %lt3A_71 = arith.cmpi slt, %arg1, %lt3A : i32
    %convert_element_type3A = arith.extui %lt3A_71 : i1 to i32
    %cond3A = arith.constant 0 : i32
    %cond3A_72 = arith.cmpi ne, %convert_element_type3A, %cond3A : i32
    scf.if %cond3A_72 {
      "tpu.region"() ({
        %run_scoped3A = tpu.sem_alloc : memref<!tpu.dma_semaphore, #tpu.memory_space<semaphore_mem>>
        %dma_start3A = arith.constant 0 : i32
        %dma_start3A_77 = tpu.memref_slice %arg6[%arg0, %mul3A_16, %dma_start3A] : memref<2x10000x128xf32, #tpu.memory_space<hbm>> -> memref<1x632x128xf32, #tpu.memory_space<hbm>>
        %dma_start3A_78 = tpu.memref_squeeze %dma_start3A_77 : memref<1x632x128xf32, #tpu.memory_space<hbm>> -> memref<632x128xf32, #tpu.memory_space<hbm>>
        %dma_start3A_79 = arith.constant 0 : i32
        %dma_start3A_80 = tpu.memref_slice %arg15[%mul3A_16, %dma_start3A_79] : memref<10120x128xf32, #tpu.memory_space<vmem_shared>> -> memref<632x128xf32, #tpu.memory_space<vmem_shared>>
        tpu.enqueue_dma source(%dma_start3A_80 : memref<632x128xf32, #tpu.memory_space<vmem_shared>>) target(%dma_start3A_78 : memref<632x128xf32, #tpu.memory_space<hbm>>) target_semaphore(%run_scoped3A : memref<!tpu.dma_semaphore, #tpu.memory_space<semaphore_mem>>)
        %dma_wait3A = arith.constant 0 : i32
        %dma_wait3A_81 = tpu.memref_slice %arg6[%arg0, %mul3A_16, %dma_wait3A] : memref<2x10000x128xf32, #tpu.memory_space<hbm>> -> memref<1x632x128xf32, #tpu.memory_space<hbm>>
        %dma_wait3A_82 = tpu.memref_squeeze %dma_wait3A_81 : memref<1x632x128xf32, #tpu.memory_space<hbm>> -> memref<632x128xf32, #tpu.memory_space<hbm>>
        %dma_wait3A_83 = arith.constant 0 : i32
        %dma_wait3A_84 = tpu.memref_slice %arg15[%mul3A_16, %dma_wait3A_83] : memref<10120x128xf32, #tpu.memory_space<vmem_shared>> -> memref<632x128xf32, #tpu.memory_space<vmem_shared>>
        tpu.wait_dma2 semaphore(%run_scoped3A : memref<!tpu.dma_semaphore, #tpu.memory_space<semaphore_mem>>) src(%dma_wait3A_84 : memref<632x128xf32, #tpu.memory_space<vmem_shared>>) dst(%dma_wait3A_82 : memref<632x128xf32, #tpu.memory_space<hbm>>)
        tpu.yield
      }) : () -> ()
    } else {
    }
    %eq3A = arith.constant 15 : i32
    %eq3A_73 = arith.cmpi eq, %arg1, %eq3A : i32
    %convert_element_type3A_74 = arith.extui %eq3A_73 : i1 to i32
    %cond3A_75 = arith.constant 0 : i32
    %cond3A_76 = arith.cmpi ne, %convert_element_type3A_74, %cond3A_75 : i32
    scf.if %cond3A_76 {
      "tpu.region"() ({
        %run_scoped3A = tpu.sem_alloc : memref<!tpu.dma_semaphore, #tpu.memory_space<semaphore_mem>>
        %dma_start3A = arith.constant 9480 : i32
        %dma_start3A_77 = arith.constant 0 : i32
        %dma_start3A_78 = tpu.memref_slice %arg6[%arg0, %dma_start3A, %dma_start3A_77] : memref<2x10000x128xf32, #tpu.memory_space<hbm>> -> memref<1x520x128xf32, #tpu.memory_space<hbm>>
        %dma_start3A_79 = tpu.memref_squeeze %dma_start3A_78 : memref<1x520x128xf32, #tpu.memory_space<hbm>> -> memref<520x128xf32, #tpu.memory_space<hbm>>
        %dma_start3A_80 = arith.constant 9480 : i32
        %dma_start3A_81 = arith.constant 0 : i32
        %dma_start3A_82 = tpu.memref_slice %arg15[%dma_start3A_80, %dma_start3A_81] : memref<10120x128xf32, #tpu.memory_space<vmem_shared>> -> memref<520x128xf32, #tpu.memory_space<vmem_shared>>
        tpu.enqueue_dma source(%dma_start3A_82 : memref<520x128xf32, #tpu.memory_space<vmem_shared>>) target(%dma_start3A_79 : memref<520x128xf32, #tpu.memory_space<hbm>>) target_semaphore(%run_scoped3A : memref<!tpu.dma_semaphore, #tpu.memory_space<semaphore_mem>>)
        %dma_wait3A = arith.constant 9480 : i32
        %dma_wait3A_83 = arith.constant 0 : i32
        %dma_wait3A_84 = tpu.memref_slice %arg6[%arg0, %dma_wait3A, %dma_wait3A_83] : memref<2x10000x128xf32, #tpu.memory_space<hbm>> -> memref<1x520x128xf32, #tpu.memory_space<hbm>>
        %dma_wait3A_85 = tpu.memref_squeeze %dma_wait3A_84 : memref<1x520x128xf32, #tpu.memory_space<hbm>> -> memref<520x128xf32, #tpu.memory_space<hbm>>
        %dma_wait3A_86 = arith.constant 9480 : i32
        %dma_wait3A_87 = arith.constant 0 : i32
        %dma_wait3A_88 = tpu.memref_slice %arg15[%dma_wait3A_86, %dma_wait3A_87] : memref<10120x128xf32, #tpu.memory_space<vmem_shared>> -> memref<520x128xf32, #tpu.memory_space<vmem_shared>>
        tpu.wait_dma2 semaphore(%run_scoped3A : memref<!tpu.dma_semaphore, #tpu.memory_space<semaphore_mem>>) src(%dma_wait3A_88 : memref<520x128xf32, #tpu.memory_space<vmem_shared>>) dst(%dma_wait3A_85 : memref<520x128xf32, #tpu.memory_space<hbm>>)
        tpu.yield
      }) : () -> ()
    } else {
    }
    return
  }
}

module attributes {stable_mosaic.version = 14 : i64} {
  func.func @_tc_mlp(%arg0: memref<10000x128xf32, #tpu.memory_space<vmem>>, %arg1: memref<2x10000x128xf32, #tpu.memory_space<vmem>>, %arg2: memref<20480xf32, #tpu.memory_space<vmem>>, %arg3: memref<1x1xf32, #tpu.memory_space<vmem>>, %arg4: memref<128x256xf32, #tpu.memory_space<vmem>>, %arg5: memref<1x256xf32, #tpu.memory_space<vmem>>, %arg6: memref<1x256xf32, #tpu.memory_space<vmem>>, %arg7: memref<1x256xf32, #tpu.memory_space<vmem>>, %arg8: memref<256x128xf32, #tpu.memory_space<vmem>>, %arg9: memref<1x128xf32, #tpu.memory_space<vmem>>, %arg10: memref<1x128xf32, #tpu.memory_space<vmem>>, %arg11: memref<1x128xf32, #tpu.memory_space<vmem>>, %arg12: memref<10000x128xf32, #tpu.memory_space<vmem>>) attributes {dimension_semantics = [], scalar_prefetch = 0 : i64, scratch_operands = 0 : i64, tpu.core_type = #tpu.core_type<tc>} {
    %get3A = arith.constant 0 : index
    %get3A_0 = arith.constant 0 : index
    %get3A_1 = arith.constant 0 : index
    %get3A_2 = vector.load %arg1[%get3A, %get3A_0, %get3A_1] : memref<2x10000x128xf32, #tpu.memory_space<vmem>>, vector<1x10000x128xf32>
    %get3A_3 = vector.shape_cast %get3A_2 : vector<1x10000x128xf32> to vector<10000x128xf32>
    %get3A_4 = arith.constant 1 : index
    %get3A_5 = arith.constant 0 : index
    %get3A_6 = arith.constant 0 : index
    %get3A_7 = vector.load %arg1[%get3A_4, %get3A_5, %get3A_6] : memref<2x10000x128xf32, #tpu.memory_space<vmem>>, vector<1x10000x128xf32>
    %get3A_8 = vector.shape_cast %get3A_7 : vector<1x10000x128xf32> to vector<10000x128xf32>
    %add3A = arith.addf %get3A_3, %get3A_8 : vector<10000x128xf32>
    %get3A_9 = arith.constant 0 : index
    %get3A_10 = vector.load %arg2[%get3A_9] : memref<20480xf32, #tpu.memory_space<vmem>>, vector<10000xf32>
    %get3A_11 = arith.constant 10240 : index
    %get3A_12 = vector.load %arg2[%get3A_11] : memref<20480xf32, #tpu.memory_space<vmem>>, vector<10000xf32>
    %add3A_13 = arith.addf %get3A_10, %get3A_12 : vector<10000xf32>
    %get3A_14 = arith.constant 0 : index
    %get3A_15 = arith.constant 0 : index
    %get3A_16 = vector.load %arg3[%get3A_14, %get3A_15] : memref<1x1xf32, #tpu.memory_space<vmem>>, vector<1x1xf32>
    %get3A_17 = vector.extract %get3A_16[0, 0] : f32 from vector<1x1xf32>
    %add3A_18 = arith.constant 1.000000e+00 : f32
    %add3A_19 = arith.addf %add3A_18, %get3A_17 : f32
    %get3A_20 = arith.constant 0 : index
    %get3A_21 = arith.constant 0 : index
    %get3A_22 = vector.load %arg0[%get3A_20, %get3A_21] : memref<10000x128xf32, #tpu.memory_space<vmem>>, vector<10000x128xf32>
    %mul3A = vector.broadcast %add3A_19 : f32 to vector<10000x128xf32>
    %mul3A_23 = arith.mulf %mul3A, %get3A_22 : vector<10000x128xf32>
    %broadcast_in_dim3A = vector.shape_cast %add3A_13 : vector<10000xf32> to vector<10000x1xf32>
    %max3A = arith.constant 1.000000e+00 : f32
    %max3A_24 = vector.broadcast %max3A : f32 to vector<10000x1xf32>
    %max3A_25 = arith.maximumf %broadcast_in_dim3A, %max3A_24 : vector<10000x1xf32>
    %div3A = vector.broadcast %max3A_25 : vector<10000x1xf32> to vector<10000x128xf32>
    %div3A_26 = arith.divf %add3A, %div3A : vector<10000x128xf32>
    %add3A_27 = arith.addf %mul3A_23, %div3A_26 : vector<10000x128xf32>
    %convert_element_type3A = arith.truncf %add3A_27 : vector<10000x128xf32> to vector<10000x128xbf16>
    %get3A_28 = arith.constant 0 : index
    %get3A_29 = arith.constant 0 : index
    %get3A_30 = vector.load %arg4[%get3A_28, %get3A_29] : memref<128x256xf32, #tpu.memory_space<vmem>>, vector<128x256xf32>
    %convert_element_type3A_31 = arith.truncf %get3A_30 : vector<128x256xf32> to vector<128x256xbf16>
    %dot_general3A = arith.constant dense<0.000000e+00> : vector<10000x256xf32>
    %dot_general3A_32 = tpu.matmul %convert_element_type3A, %convert_element_type3A_31, %dot_general3A {dimension_numbers = #tpu.dot_dimension_numbers<[1], [0], [0], [1], [0, 0, 1, 1], [], []>, transpose_lhs_hint = false} : vector<10000x128xbf16>, vector<128x256xbf16>, vector<10000x256xf32> -> vector<10000x256xf32>
    %get3A_33 = arith.constant 0 : index
    %get3A_34 = arith.constant 0 : index
    %get3A_35 = vector.load %arg5[%get3A_33, %get3A_34] : memref<1x256xf32, #tpu.memory_space<vmem>>, vector<1x256xf32>
    %add3A_36 = vector.broadcast %get3A_35 : vector<1x256xf32> to vector<10000x256xf32>
    %add3A_37 = arith.addf %dot_general3A_32, %add3A_36 : vector<10000x256xf32>
    %get3A_38 = arith.constant 0 : index
    %get3A_39 = arith.constant 0 : index
    %get3A_40 = vector.load %arg6[%get3A_38, %get3A_39] : memref<1x256xf32, #tpu.memory_space<vmem>>, vector<1x256xf32>
    %get3A_41 = arith.constant 0 : index
    %get3A_42 = arith.constant 0 : index
    %get3A_43 = vector.load %arg7[%get3A_41, %get3A_42] : memref<1x256xf32, #tpu.memory_space<vmem>>, vector<1x256xf32>
    %reduce_sum3A = arith.constant dense<0.000000e+00> : vector<256xf32>
    %reduce_sum3A_44 = vector.multi_reduction <add>, %add3A_37, %reduce_sum3A [0] : vector<10000x256xf32> to vector<256xf32>
    %broadcast_in_dim3A_45 = vector.shape_cast %reduce_sum3A_44 : vector<256xf32> to vector<1x256xf32>
    %div3A_46 = arith.constant 1.000000e+04 : f32
    %div3A_47 = vector.broadcast %div3A_46 : f32 to vector<1x256xf32>
    %div3A_48 = arith.divf %broadcast_in_dim3A_45, %div3A_47 : vector<1x256xf32>
    %mul3A_49 = arith.mulf %add3A_37, %add3A_37 : vector<10000x256xf32>
    %reduce_sum3A_50 = arith.constant dense<0.000000e+00> : vector<256xf32>
    %reduce_sum3A_51 = vector.multi_reduction <add>, %mul3A_49, %reduce_sum3A_50 [0] : vector<10000x256xf32> to vector<256xf32>
    %broadcast_in_dim3A_52 = vector.shape_cast %reduce_sum3A_51 : vector<256xf32> to vector<1x256xf32>
    %div3A_53 = arith.constant 1.000000e+04 : f32
    %div3A_54 = vector.broadcast %div3A_53 : f32 to vector<1x256xf32>
    %div3A_55 = arith.divf %broadcast_in_dim3A_52, %div3A_54 : vector<1x256xf32>
    %mul3A_56 = arith.mulf %div3A_48, %div3A_48 : vector<1x256xf32>
    %sub3A = arith.subf %div3A_55, %mul3A_56 : vector<1x256xf32>
    %sub3A_57 = vector.broadcast %div3A_48 : vector<1x256xf32> to vector<10000x256xf32>
    %sub3A_58 = arith.subf %add3A_37, %sub3A_57 : vector<10000x256xf32>
    %mul3A_59 = vector.broadcast %get3A_40 : vector<1x256xf32> to vector<10000x256xf32>
    %mul3A_60 = arith.mulf %mul3A_59, %sub3A_58 : vector<10000x256xf32>
    %add3A_61 = arith.constant 9.99999974E-6 : f32
    %add3A_62 = vector.broadcast %add3A_61 : f32 to vector<1x256xf32>
    %add3A_63 = arith.addf %sub3A, %add3A_62 : vector<1x256xf32>
    %rsqrt3A = math.rsqrt %add3A_63 : vector<1x256xf32>
    %mul3A_64 = vector.broadcast %rsqrt3A : vector<1x256xf32> to vector<10000x256xf32>
    %mul3A_65 = arith.mulf %mul3A_60, %mul3A_64 : vector<10000x256xf32>
    %add3A_66 = vector.broadcast %get3A_43 : vector<1x256xf32> to vector<10000x256xf32>
    %add3A_67 = arith.addf %mul3A_65, %add3A_66 : vector<10000x256xf32>
    %max3A_68 = arith.constant 0.000000e+00 : f32
    %max3A_69 = vector.broadcast %max3A_68 : f32 to vector<10000x256xf32>
    %max3A_70 = arith.maximumf %add3A_67, %max3A_69 : vector<10000x256xf32>
    %convert_element_type3A_71 = arith.truncf %max3A_70 : vector<10000x256xf32> to vector<10000x256xbf16>
    %get3A_72 = arith.constant 0 : index
    %get3A_73 = arith.constant 0 : index
    %get3A_74 = vector.load %arg8[%get3A_72, %get3A_73] : memref<256x128xf32, #tpu.memory_space<vmem>>, vector<256x128xf32>
    %convert_element_type3A_75 = arith.truncf %get3A_74 : vector<256x128xf32> to vector<256x128xbf16>
    %dot_general3A_76 = arith.constant dense<0.000000e+00> : vector<10000x128xf32>
    %dot_general3A_77 = tpu.matmul %convert_element_type3A_71, %convert_element_type3A_75, %dot_general3A_76 {dimension_numbers = #tpu.dot_dimension_numbers<[1], [0], [0], [1], [0, 0, 1, 1], [], []>, transpose_lhs_hint = false} : vector<10000x256xbf16>, vector<256x128xbf16>, vector<10000x128xf32> -> vector<10000x128xf32>
    %get3A_78 = arith.constant 0 : index
    %get3A_79 = arith.constant 0 : index
    %get3A_80 = vector.load %arg9[%get3A_78, %get3A_79] : memref<1x128xf32, #tpu.memory_space<vmem>>, vector<1x128xf32>
    %add3A_81 = vector.broadcast %get3A_80 : vector<1x128xf32> to vector<10000x128xf32>
    %add3A_82 = arith.addf %dot_general3A_77, %add3A_81 : vector<10000x128xf32>
    %get3A_83 = arith.constant 0 : index
    %get3A_84 = arith.constant 0 : index
    %get3A_85 = vector.load %arg10[%get3A_83, %get3A_84] : memref<1x128xf32, #tpu.memory_space<vmem>>, vector<1x128xf32>
    %get3A_86 = arith.constant 0 : index
    %get3A_87 = arith.constant 0 : index
    %get3A_88 = vector.load %arg11[%get3A_86, %get3A_87] : memref<1x128xf32, #tpu.memory_space<vmem>>, vector<1x128xf32>
    %reduce_sum3A_89 = arith.constant dense<0.000000e+00> : vector<128xf32>
    %reduce_sum3A_90 = vector.multi_reduction <add>, %add3A_82, %reduce_sum3A_89 [0] : vector<10000x128xf32> to vector<128xf32>
    %broadcast_in_dim3A_91 = vector.shape_cast %reduce_sum3A_90 : vector<128xf32> to vector<1x128xf32>
    %div3A_92 = arith.constant 1.000000e+04 : f32
    %div3A_93 = vector.broadcast %div3A_92 : f32 to vector<1x128xf32>
    %div3A_94 = arith.divf %broadcast_in_dim3A_91, %div3A_93 : vector<1x128xf32>
    %mul3A_95 = arith.mulf %add3A_82, %add3A_82 : vector<10000x128xf32>
    %reduce_sum3A_96 = arith.constant dense<0.000000e+00> : vector<128xf32>
    %reduce_sum3A_97 = vector.multi_reduction <add>, %mul3A_95, %reduce_sum3A_96 [0] : vector<10000x128xf32> to vector<128xf32>
    %broadcast_in_dim3A_98 = vector.shape_cast %reduce_sum3A_97 : vector<128xf32> to vector<1x128xf32>
    %div3A_99 = arith.constant 1.000000e+04 : f32
    %div3A_100 = vector.broadcast %div3A_99 : f32 to vector<1x128xf32>
    %div3A_101 = arith.divf %broadcast_in_dim3A_98, %div3A_100 : vector<1x128xf32>
    %mul3A_102 = arith.mulf %div3A_94, %div3A_94 : vector<1x128xf32>
    %sub3A_103 = arith.subf %div3A_101, %mul3A_102 : vector<1x128xf32>
    %sub3A_104 = vector.broadcast %div3A_94 : vector<1x128xf32> to vector<10000x128xf32>
    %sub3A_105 = arith.subf %add3A_82, %sub3A_104 : vector<10000x128xf32>
    %mul3A_106 = vector.broadcast %get3A_85 : vector<1x128xf32> to vector<10000x128xf32>
    %mul3A_107 = arith.mulf %mul3A_106, %sub3A_105 : vector<10000x128xf32>
    %add3A_108 = arith.constant 9.99999974E-6 : f32
    %add3A_109 = vector.broadcast %add3A_108 : f32 to vector<1x128xf32>
    %add3A_110 = arith.addf %sub3A_103, %add3A_109 : vector<1x128xf32>
    %rsqrt3A_111 = math.rsqrt %add3A_110 : vector<1x128xf32>
    %mul3A_112 = vector.broadcast %rsqrt3A_111 : vector<1x128xf32> to vector<10000x128xf32>
    %mul3A_113 = arith.mulf %mul3A_107, %mul3A_112 : vector<10000x128xf32>
    %add3A_114 = vector.broadcast %get3A_88 : vector<1x128xf32> to vector<10000x128xf32>
    %add3A_115 = arith.addf %mul3A_113, %add3A_114 : vector<10000x128xf32>
    %max3A_116 = arith.constant 0.000000e+00 : f32
    %max3A_117 = vector.broadcast %max3A_116 : f32 to vector<10000x128xf32>
    %max3A_118 = arith.maximumf %add3A_115, %max3A_117 : vector<10000x128xf32>
    %swap3A = arith.constant 0 : index
    %swap3A_119 = arith.constant 0 : index
    %swap3A_120 = vector.load %arg12[%swap3A, %swap3A_119] : memref<10000x128xf32, #tpu.memory_space<vmem>>, vector<10000x128xf32>
    tpu.vector_store %arg12[%swap3A, %swap3A_119], %max3A_118 {strides = array<i32>} : memref<10000x128xf32, #tpu.memory_space<vmem>>, vector<10000x128xf32>,
    return
  }
}

</mosaic_0001>

<sc_bundles>
// kernel: kernel.4.cloned.1.call-start
scs
__scs_entry_jumppad:
0x0: {  	(pc) =	sbr.rel $0x88, $3  }
0x1: {  	(tag) =	ssettag $0x0;
	lr =	simm.s32 $0x1  }
0x2: {  	[smem:$0x3F95] =	sst lr;
	_ =	strace $0xD0000000  }
0x3: {  	_ = 	snop  }
0x4: {  	_ = 	snop  }
0x5: {  	_ = 	snop  }
0x6: {  	_ = 	snop  }
0x7: {  	_ = 	snop  }
__scs_overlays_trampoline_lowered:
0x8: {  	[smem:$0x3FA4] =	sst s0  }
0x9: {  	[smem:$0x3FA5] =	sst s1  }
0xa: {  	[smem:$0x3FA6] =	sst s2  }
0xb: {  	[smem:$0x3FA7] =	sst s3  }
0xc: {  	[smem:$0x3FA8] =	sst s4  }
0xd: {  	[smem:$0x3FA9] =	sst s5  }
0xe: {  	[smem:$0x3FAA] =	sst s6  }
0xf: {  	[smem:$0x3FAB] =	sst s7  }
0x10: {  	[smem:$0x3FAC] =	sst s8  }
0x11: {  	[smem:$0x3FAD] =	sst s9;
	s0 =	simm.s32 @!p0 $0x0  }
0x12: {  	s1 =	sld [smem:$0x3F93];
	s0 =	simm.s32 @p0 $0x1  }
0x13: {  	[smem:$0x3FAE] =	sst s0;
	s0 =	simm.s32 @!p1 $0x0  }
0x14: {  	s2 =	sld [smem:$0x3F92];
	s0 =	simm.s32 @p1 $0x1  }
0x15: {  	[smem:$0x3FAF] =	sst s0;
	s0 =	simm.s32 @!p2 $0x0  }
0x16: {  	s3 =	sld [smem:$0x3FDB];
	s0 =	simm.s32 @p2 $0x1  }
0x17: {  	s4 =	simm.s32 $0x1BF5;
	[smem:$0x3FB1] =	sst s0  }
0x18: {  	s0 =	sld [smem:$0x3F94];
	_ =	swait.ge [sflag:s4], $0x0  }
0x19: {  	s7 =	sld [smem:$0x3F95]  }
0x1a: {  	s8 =	sadd.s32 $0xFFFFE003, lr  }
0x1b: {  	s9 =	sadd.s32 $0xFFFFFEF7, lr;
	s5 =	simm.s32 $0xFFFFFFFF;
	p2 =	slt.u32 s8, $0xFFFFF086  }
0x1c: {  	p1 =	slt.u32 s9, $0xF7A;
	s5 =	simm.s32 @!p2 $0x0  }
0x1d: {  	s5 =	simm.s32 @p1 $0x1;
	p0 =	seq.s32 s7, s2  }
0x1e: {  	s7 =	smul.u32 @!p0 $0xF7A, s2;
	p2 =	seq.s32 @!p0 s5, $0x0  }
0x1f: {  	s9 =	smul.u32 $0xF7A, s1;
	s8 =	simm.s32 @!p0 $0x1BF5;
	p2 =	por !p2, p0  }
0x20: {  	[sflag:s8] =	ssyncset.s32 @!p0 $0xFFFFF086;
	s6 =	sadd.s32 @!p0 s3, s7;
	s7 =	simm.s32 @!p0 $0x108  }
0x21: {  	s3 =	sadd.s32 s3, s9;
	s6 =	sadd.s32 @!p0 $0x88, s6;
	s7 =	simm.s32 @p2 $0x1082  }
0x22: {  	[simem:s7], [sflag:s8] =	dma.local @!p0 [hbm:s6], $0xF7A  }
0x23: {  	s9 =	sor.u32 $0xD0000000, s2;
	s6 =	simm.s32 $0x108;
	_ =	swait.ge @!p0 [sflag:s8], $0x0  }
0x24: {  	s3 =	sadd.s32 $0x88, s3;
	s6 =	simm.s32 @!p1 $0x1082;
	[sflag:s4] =	ssyncset.s32 $0xFFFFF086  }
0x25: {  	[simem:s6], [sflag:s4] =	dma.local [hbm:s3], $0xF7A  }
0x26: {  	[smem:$0x3F95] =	sst s1;
	(tag) =	ssettag s2;
	_ =	strace s9  }
0x27: {  	s1 =	sld [smem:$0x3FA5]  }
0x28: {  	s2 =	sld [smem:$0x3FA6]  }
0x29: {  	s4 =	sld [smem:$0x3FA8]  }
0x2a: {  	p0 =	seq.s32 s5, $0x0;
	s5 =	sld [smem:$0x3FA9]  }
0x2b: {  	s6 =	sld [smem:$0x3FAA]  }
0x2c: {  	s7 =	sld [smem:$0x3FAB]  }
0x2d: {  	s3 =	simm.s32 $0x108;
	s8 =	sld [smem:$0x3FAC]  }
0x2e: {  	s3 =	simm.s32 @!p0 $0x1082;
	s9 =	sld [smem:$0x3FAD]  }
0x2f: {  	lr =	sadd.s32 s0, s3;
	s0 =	sld [smem:$0x3FA4]  }
0x30: {  	s3 =	sld [smem:$0x3FA7]  }
0x31: {  	[smem:$0x3FB0] =	sst s10  }
0x32: {  	s10 =	sld [smem:$0x3FAE];
	_ =	sdelay $0x3  }
0x33: {  	p0 =	seq.s32 s10, $0x1;
	s10 =	sld [smem:$0x3FB0];
	_ =	sdelay $0x3  }
0x34: {  	[smem:$0x3FB0] =	sst s10  }
0x35: {  	s10 =	sld [smem:$0x3FAF];
	_ =	sdelay $0x3  }
0x36: {  	p1 =	seq.s32 s10, $0x1;
	s10 =	sld [smem:$0x3FB0];
	_ =	sdelay $0x3  }
0x37: {  	[smem:$0x3FB0] =	sst s10  }
0x38: {  	s10 =	sld [smem:$0x3FB1]  }
0x39: {  	_ = 	snop;
	(pc) =	sbr.ind lr, $3  }
0x3a: {  	_ = 	snop  }
0x3b: {  	_ = 	snop  }
0x3c: {  	p2 =	seq.s32 s10, $0x1;
	s10 =	sld [smem:$0x3FB0]  }
0x3d: {  	_ =	shalt  }
0x3e: {  	_ =	shalt  }
0x3f: {  	_ =	shalt  }
0x40: {  	_ =	shalt  }
0x41: {  	_ =	shalt  }
0x42: {  	_ =	shalt  }
0x43: {  	_ =	shalt  }
0x44: {  	_ =	shalt  }
0x45: {  	_ =	shalt  }
0x46: {  	_ =	shalt  }
0x47: {  	_ =	shalt  }
0x48: {  	_ =	shalt  }
0x49: {  	_ =	shalt  }
0x4a: {  	_ =	shalt  }
0x4b: {  	_ =	shalt  }
0x4c: {  	_ =	shalt  }
0x4d: {  	_ =	shalt  }
0x4e: {  	_ =	shalt  }
0x4f: {  	_ =	shalt  }
0x50: {  	_ =	shalt  }
0x51: {  	_ =	shalt  }
0x52: {  	_ =	shalt  }
0x53: {  	_ =	shalt  }
0x54: {  	_ =	shalt  }
0x55: {  	_ =	shalt  }
0x56: {  	_ =	shalt  }
0x57: {  	_ =	shalt  }
0x58: {  	_ =	shalt  }
0x59: {  	_ =	shalt  }
0x5a: {  	_ =	shalt  }
0x5b: {  	_ =	shalt  }
0x5c: {  	_ =	shalt  }
0x5d: {  	_ =	shalt  }
0x5e: {  	_ =	shalt  }
0x5f: {  	_ =	shalt  }
0x60: {  	_ =	shalt  }
0x61: {  	_ =	shalt  }
0x62: {  	_ =	shalt  }
0x63: {  	_ =	shalt  }
0x64: {  	_ =	shalt  }
0x65: {  	_ =	shalt  }
0x66: {  	_ =	shalt  }
0x67: {  	_ =	shalt  }
0x68: {  	_ =	shalt  }
0x69: {  	_ =	shalt  }
0x6a: {  	_ =	shalt  }
0x6b: {  	_ =	shalt  }
0x6c: {  	_ =	shalt  }
0x6d: {  	_ =	shalt  }
0x6e: {  	_ =	shalt  }
0x6f: {  	_ =	shalt  }
0x70: {  	_ =	shalt  }
0x71: {  	_ =	shalt  }
0x72: {  	_ =	shalt  }
0x73: {  	_ =	shalt  }
0x74: {  	_ =	shalt  }
0x75: {  	_ =	shalt  }
0x76: {  	_ =	shalt  }
0x77: {  	_ =	shalt  }
0x78: {  	_ =	shalt  }
0x79: {  	_ =	shalt  }
0x7a: {  	_ =	shalt  }
0x7b: {  	_ =	shalt  }
0x7c: {  	_ =	shalt  }
0x7d: {  	_ =	shalt  }
0x7e: {  	_ =	shalt  }
0x7f: {  	_ =	shalt  }
0x80: {  	_ =	shalt  }
0x81: {  	_ =	shalt  }
0x82: {  	_ =	shalt  }
0x83: {  	_ =	shalt  }
0x84: {  	_ =	shalt  }
0x85: {  	_ =	shalt  }
0x86: {  	_ =	shalt  }
0x87: {  	_ =	shalt  }
.Lfunc_end0:
.L_simem_size_0:
called_computation_lowered:
.L_overlay_start_0:
0x88: {  	s2 =	sld [smem:$0x3FD9]  }
0x89: {  	s3 =	sld [smem:$0x3FFE];
	_ =	sdelay $0x1  }
0x8a: {  	s1 =	srdreg.scid  }
0x8b: {  	s0 =	sand.u32 $0x1, s1  }
0x8c: {  	s17 =	sshll.u32 s0, $0xA;
	s2 =	sadd.s32 s3, s2  }
0x8d: {  	s2 =	sadd.s32 s2, s17  }
0x8e: {  	[smem:$0x3FBC] =	sst s2  }
0x8f: {  	_ = 	snop  }
0x90: {  	s2 =	sld [smem:$0x3FC9]  }
0x91: {  	s18 =	sld [smem:$0x3FC7]  }
0x92: {  	s4 =	sld [smem:$0x3FD0];
	(tm) =	ssettm $0x1  }
0x93: {  	s5 =	sld [smem:$0x3FFB];
	_ =	sdelay $0x3  }
0x94: {  	_ =	strace s5  }
0x95: {  	s5 =	sld [smem:$0x3FFC];
	_ =	sdelay $0x3  }
0x96: {  	_ =	strace s5  }
0x97: {  	s5 =	sld [smem:$0x3FFD];
	_ =	sdelay $0x3  }
0x98: {  	_ =	strace s5  }
0x99: {  	_ =	strace $0x8FFFFFFF  }
0x9a: {  	s19 =	sld [smem:$0x3FDB];
	_ =	sdelay $0x1  }
0x9b: {  	s6 =	simm.s32 $_scs_section_size  }
0x9c: {  	s7 =	simm.s32 $_size__tile_overlayer_lowered;
	s8 =	simm.s32 $_tile_overlayer_lowered  }
0x9d: {  	s22 =	simm.s32 $0x1BFF;
	s21 =	sshll.u32 s8, $0x1;
	s5 =	sadd.s32 s6, s19  }
0x9e: {  	s9 =	simm.s32 $0x0;
	s20 =	sshll.u32 s7, $0x1;
	s7 =	sadd.s32 s21, s5  }
0x9f: {  	[timem:s9], [sflag:s22] =	dma.local [hbm:s7], s20  }
0xa0: {  	_ =	swait.ge [sflag:s22], s20  }
0xa1: {  	s6 =	ssub.s32 $0x0, s20;
	[sflag:s22] =	ssyncset.done $0x0  }
0xa2: {  	[sflag:s22] =	ssyncadd.s32 s6;
	_ =	sdelay $0x1  }
0xa3: {  	s23 =	simm.s32 $0x1B8B  }
0xa4: {  	_ =	swait.ge [sflag:s23], $0x1  }
0xa5: {  	[sflag:s23] =	ssyncset.done $0x0  }
0xa6: {  	s25 =	simm.s32 $0x1B8E;
	s24 =	sld [smem:$0x3FFE];
	[sflag:s23] =	ssyncadd.s32 $0xFFFFFFFF  }
0xa7: {  	s26 =	simm.s32 $execute0_lowered;
	[smem:$0x3FD2] =	sst s25  }
0xa8: {  	s7 =	sshll.u32 s26, $0x1;
	_ =	strace $0x80000046;
	[dreg:$0x1] =	wrdreg $0xFFFFFFFF  }
0xa9: {  	s28 =	simm.s32 $_size_execute0_lowered;
	s5 =	sadd.s32 s5, s7;
	[dreg:$0x0] =	wrdreg $0x0  }
0xaa: {  	s7 =	sshll.u32 s28, $0x1;
	[dreg:$0x2] =	wrdreg s5  }
0xab: {  	[dreg:$0x3] =	wrdreg s7  }
0xac: {  	[dreg:$0x4] =	wrdreg $0xC0  }
0xad: {  	_ =	task [dreg:s9], $0x5FFFF  }
0xae: {  	[dreg:$0x1] =	wrdreg $0xFFFFFFFF  }
0xaf: {  	[dreg:$0x0] =	wrdreg $0x60  }
0xb0: {  	[dreg:$0x2] =	wrdreg s4  }
0xb1: {  	[dreg:$0x3] =	wrdreg s24  }
0xb2: {  	[dreg:$0x4] =	wrdreg s2  }
0xb3: {  	[dreg:$0x5] =	wrdreg s18  }
0xb4: {  	[dreg:$0x6] =	wrdreg $0xC0800  }
0xb5: {  	[dreg:$0x7] =	wrdreg $0x1FCC00  }
0xb6: {  	[dreg:$0x8] =	wrdreg $0x9  }
0xb7: {  	_ =	task.clear_ibuf [dreg:s9], $0x9FFFF;
	_ =	strace $0x90000046  }
0xb8: {  	s29 =	simm.s32 $0x9;
	_ =	strace $0x80000048  }
0xb9: {  	_ =	swait.ge [sflag:s29], $0x1  }
0xba: {  	[sflag:s29] =	ssyncadd.s32 $0xFFFFFFFF  }
0xbb: {  	_ =	strace $0x90000048  }
0xbc: {  	_ =	sfence  }
0xbd: {  	s30 =	sld [smem:$0x0];
	_ =	sdelay $0x2  }
0xbe: {  	s31 =	sshll.u32 s1, $0xD;
	s1 =	sshrl.u32 s1, $0x2  }
0xbf: {  	s3 =	sand.u32 $0x4000, s31;
	s1 =	sadd.s32 s1, s30  }
0xc0: {  	s0 =	sor.u32 s3, s0;
	s1 =	sshll.u32 s1, $0x11  }
0xc1: {  	s0 =	sor.u32 s1, s0  }
0xc2: {  	s0 =	sadd.s32 $0x8F2B, s0  }
0xc3: {  	[sflag:s0] =	ssyncadd.remote.s32 $0x1  }
0xc4: {  	_ =	sfence.sel $0xFFFF  }
0xc5: {  	[dreg:$0x0] =	wrdreg $0xFFFFFFFF;
	(pc) =	sbr.abs _section_cstart, $3  }
0xc6: {  	[dreg:$0x1] =	wrdreg $0xFFFFFFFF  }
0xc7: {  	_ =	task.clear_ibuf [dreg:s9], $0x2FFFF;
	_ =	strace $0x9FFFFFFF  }
0xc8: {  	(tm) =	ssettm $0x7FFFFFFF  }
0xc9: {  	_ =	shalt  }
tec
execute0_lowered:
.L_overlay_start_1:
0x0: {  	(tag) =	ssettag $0x1  }
0x1: {  	s0 =	rddreg [dreg:$0x1]  }
0x2: {  	s2 =	rddreg [dreg:$0x2]  }
0x3: {  	s14 =	rddreg [dreg:$0x3]  }
0x4: {  	s5 =	rddreg [dreg:$0x4];
	s1 =	srdreg.scid  }
0x5: {  	s12 =	stileid.u32;
	s6 =	rddreg [dreg:$0x5];
	s7 =	simm.s32 $0x0  }
0x6: {  	s28 =	simm.s32 $0x2;
	s29 =	simm.s32 $0x4;
	s3 =	smul.u32 $0x280, s12  }
0x7: {  	s30 =	simm.s32 $0x1080;
	s31 =	simm.s32 $0x3;
	s9 =	smul.u32 $0x4F000, s12  }
0x8: {  	s1 =	sand.u32 $0x1, s1;
	[smem:$0x7FF] =	sst s7;
	s19 =	smul.u32 $0x13C00, s12  }
0x9: {  	s8 =	sadd.s32 $0x1C00, s0;
	s10 =	sadd.s32 $0x15C00, s0;
	s26 =	smul.u32 $0x4E200, s12  }
0xa: {  	s15 =	sshll.u32 s12, $0x1;
	s4 =	smul.u32 $0x2800, s1;
	_ =	strace $0x80000047  }
0xb: {  	[dreg:$0x7] =	wrdreg s8;
	s8 =	sor.u32 s1, s15;
	s16 =	smul.u32 $0x138800, s1  }
0xc: {  	p0 =	seq.s32 s12, $0xF;
	s20 =	sadd.s32 s3, s6;
	s22 =	smul.u32 $0x5000, s8  }
0xd: {  	s11 =	ssub.s32 $0x2, s1;
	s24 =	smul.u32 $0x138800, s8;
	[dreg:$0x9] =	wrdreg s20  }
0xe: {  	s8 =	smul.u32 $0x7D, s8;
	s23 =	sadd.s32 $0xA0, s20;
	[dreg:$0xd] =	wrdreg s22  }
0xf: {  	s1 =	smul.u32 $0x27100, s1;
	s9 =	sshrl.u32 s9, $0x2;
	[dreg:$0xe] =	wrdreg s23  }
0x10: {  	s13 =	sshrl.u32 s11, $0x1;
	s17 =	sadd.s32 s9, s5;
	[dreg:$0x10] =	wrdreg s8  }
0x11: {  	s4 =	sadd.s32 s3, s4;
	s18 =	sadd.s32 $0x2800, s17;
	[dreg:$0x8] =	wrdreg s17  }
0x12: {  	s3 =	sadd.s32 s19, s16;
	s21 =	sadd.s32 $0x5000, s17;
	[dreg:$0xa] =	wrdreg s18  }
0x13: {  	s25 =	sshrl.u32 s16, $0x3;
	s16 =	sadd.s32 $0xA000, s17;
	[dreg:$0xc] =	wrdreg s21  }
0x14: {  	s9 =	simm.s32 $0x7;
	s19 =	sadd.s32 $0xC800, s17;
	[dreg:$0x19] =	wrdreg s16  }
0x15: {  	s4 =	sshrl.u32 s4, $0x3;
	s22 =	sadd.s32 $0xF000, s17;
	[dreg:$0x1b] =	wrdreg s19  }
0x16: {  	s23 =	sadd.s32 $0x1E0, s20;
	s0 =	sadd.s32 s4, s0;
	[dreg:$0x1d] =	wrdreg s22  }
0x17: {  	s4 =	ssub.s32 s11, s13;
	s11 =	sadd.s32 $0x50, s20;
	[dreg:$0x1e] =	wrdreg s23  }
0x18: {  	s3 =	sshrl.u32 s3, $0x3;
	s13 =	sadd.s32 $0x7800, s17;
	[dreg:$0xb] =	wrdreg s11  }
0x19: {  	s3 =	sadd.s32 s10, s3;
	s18 =	sadd.s32 $0x140, s20;
	[dreg:$0xf] =	wrdreg s13  }
0x1a: {  	s21 =	sadd.s32 $0x190, s20;
	s16 =	simm.s32 $0xC000;
	[dreg:$0x11] =	wrdreg s3  }
0x1b: {  	s19 =	simm.s32 $0x50;
	s23 =	simm.s32 $0x7000;
	[dreg:$0x1a] =	wrdreg s18  }
0x1c: {  	s3 =	sadd.s32 s10, s25;
	s10 =	sadd.s32 $0xF0, s20;
	[dreg:$0x1c] =	wrdreg s21  }
0x1d: {  	s11 =	sadd.s32 $0x3C000, s24;
	s0 =	sadd.s32 $0x63E00, s0;
	[dreg:$0x12] =	wrdreg s10  }
0x1e: {  	s13 =	sadd.s32 s26, s14;
	s15 =	smax.u32 s4, $0x1;
	[dreg:$0x13] =	wrdreg s11  }
0x1f: {  	s24 =	sadd.s32 $0x11800, s17;
	s25 =	sadd.s32 $0x230, s20;
	[dreg:$0x14] =	wrdreg s0  }
0x20: {  	s26 =	sadd.s32 $0x500, s14;
	s18 =	simm.s32 $0x1000;
	[dreg:$0x16] =	wrdreg s15  }
0x21: {  	s21 =	simm.s32 $0x4800;
	s4 =	simm.s32 $0x6;
	[dreg:$0x1f] =	wrdreg s24  }
0x22: {  	s3 =	sadd.s32 $0x25080, s3;
	s0 =	sadd.s32 s1, s13;
	[smem:$0x7FC] =	sst s25  }
0x23: {  	s1 =	sadd.s32 $0x128400, s5;
	[smem:$0x7FD] =	sst s26;
	s13 =	simm.s32 $0x2000  }
0x24: {  	s15 =	simm.s32 $0x8;
	s25 =	simm.s32 $0x9800;
	s26 =	simm.s32 $0x1  }
0x25: {  	s24 =	simm.s32 $0x5;
	[dreg:$0x15] =	wrdreg s3;
	s0 =	sadd.s32 $0xF00, s0  }
0x26: {  	s11 =	simm.s32 $0x1C00;
	[dreg:$0x17] =	wrdreg s0;
	s0 =	sshrl.u32 @p0 s1, $0x3  }
0x27: {  	v0 =	vimm.f32 $0.0e+00;
	v1 =	vimm.f32 $1.000000000e+00;
	s10 =	simm.s32 $0x0;
	s3 =	simm.s32 $0x0;
	[dreg:$0x18] =	wrdreg s0  }
.LBB2_1:
0x28: {  	s0 =	simm.s32 $0x70;
	s1 =	simm.s32 $0x3C0  }
.LBB2_2:
0x29: {  	p1 =	sne.s32 s1, $0x9FC0;
	[tilespmem:s0+$0x2000] =	vst v0  }
0x2a: {  	[tilespmem:s0+$0x1F90] =	vst v0  }
0x2b: {  	[tilespmem:s0+$0x1FA0] =	vst v0  }
.Ltmp0:
0x2c: {  	[tilespmem:s0+$0x1FB0] =	vst v0;
	(pc) =	sbr.rel @p1 .LBB2_2-.Ltmp0, $4  }
0x2d: {  	[tilespmem:s0+$0x1FC0] =	vst v0  }
0x2e: {  	[tilespmem:s0+$0x1FD0] =	vst v0  }
0x2f: {  	[tilespmem:s0+$0x1FE0] =	vst v0  }
0x30: {  	[tilespmem:s0+$0x1FF0] =	vst v0;
	s0 =	sshra.s32 s1, $0x2;
	s1 =	sadd.s32 $0x200, s1  }
0x31: {  	[tilespmem:s0+$0x2000] =	vst v0  }
0x32: {  	[tilespmem:s0+$0x1F90] =	vst v0  }
0x33: {  	[tilespmem:s0+$0x1FA0] =	vst v0  }
0x34: {  	[tilespmem:s0+$0x1FB0] =	vst v0  }
0x35: {  	[tilespmem:s0+$0x1FC0] =	vst v0  }
0x36: {  	[tilespmem:s0+$0x1FD0] =	vst v0  }
0x37: {  	[tilespmem:s0+$0x1FE0] =	vst v0  }
0x38: {  	[tilespmem:s0+$0x1FF0] =	vst v0  }
0x39: {  	[tilespmem:$0xC000] =	vst v0  }
0x3a: {  	[tilespmem:$0xC010] =	vst v0  }
0x3b: {  	[tilespmem:$0xC020] =	vst v0  }
0x3c: {  	[tilespmem:$0xC030] =	vst v0  }
0x3d: {  	[smem:$0x7FB] =	sst s3;
	[tilespmem:$0xC040] =	vst v0  }
0x3e: {  	[spmem:s17] =	stream.linear.scatter [tilespmem:s13], [sflag:$0x8], $0x2800, $0x38;
	[tilespmem:$0x1FF40] =	vst v63  }
0x3f: {  	_ =	swait.ge [sflag:s15], $0x2800  }
0x40: {  	[sflag:s15] =	ssyncset.done $0x0  }
0x41: {  	[sflag:s15] =	ssyncadd.s32 $0xFFFFD800  }
0x42: {  	[spmem:s20] =	stream.linear.scatter [tilespmem:s16], [sflag:$0x8], $0x50, $0x38;
	[tilespmem:$0x1FF40] =	vst v63  }
0x43: {  	_ =	swait.ge [sflag:s15], $0x50  }
0x44: {  	[sflag:s15] =	ssyncset.done $0x0  }
0x45: {  	s1 =	rddreg [dreg:$0xa];
	[sflag:s15] =	ssyncadd.s32 $0xFFFFFFB0  }
0x46: {  	[spmem:s1] =	stream.linear.scatter [tilespmem:s13], [sflag:$0x8], $0x2800, $0x38;
	[tilespmem:$0x1FF40] =	vst v63  }
0x47: {  	_ =	swait.ge [sflag:s15], $0x2800  }
0x48: {  	[sflag:s15] =	ssyncset.done $0x0  }
0x49: {  	s3 =	rddreg [dreg:$0xb];
	[sflag:s15] =	ssyncadd.s32 $0xFFFFD800  }
0x4a: {  	[spmem:s3] =	stream.linear.scatter [tilespmem:s16], [sflag:$0x8], $0x50, $0x38;
	[tilespmem:$0x1FF40] =	vst v63  }
0x4b: {  	_ =	swait.ge [sflag:s15], $0x50  }
0x4c: {  	[sflag:s15] =	ssyncset.done $0x0  }
0x4d: {  	s8 =	rddreg [dreg:$0xc];
	[sflag:s15] =	ssyncadd.s32 $0xFFFFFFB0  }
0x4e: {  	[spmem:s8] =	stream.linear.scatter [tilespmem:s13], [sflag:$0x8], $0x2800, $0x38;
	[tilespmem:$0x1FF40] =	vst v63  }
0x4f: {  	_ =	swait.ge [sflag:s15], $0x2800  }
0x50: {  	[sflag:s15] =	ssyncset.done $0x0  }
0x51: {  	s12 =	rddreg [dreg:$0xe];
	[sflag:s15] =	ssyncadd.s32 $0xFFFFD800  }
0x52: {  	[spmem:s12] =	stream.linear.scatter [tilespmem:s16], [sflag:$0x8], $0x50, $0x38;
	[tilespmem:$0x1FF40] =	vst v63  }
0x53: {  	_ =	swait.ge [sflag:s15], $0x50  }
0x54: {  	[sflag:s15] =	ssyncset.done $0x0  }
0x55: {  	s17 =	rddreg [dreg:$0xf];
	[sflag:s15] =	ssyncadd.s32 $0xFFFFFFB0  }
0x56: {  	[spmem:s17] =	stream.linear.scatter [tilespmem:s13], [sflag:$0x8], $0x2800, $0x38;
	[tilespmem:$0x1FF40] =	vst v63  }
0x57: {  	_ =	swait.ge [sflag:s15], $0x2800  }
0x58: {  	[sflag:s15] =	ssyncset.done $0x0  }
0x59: {  	s20 =	rddreg [dreg:$0x12];
	[sflag:s15] =	ssyncadd.s32 $0xFFFFD800  }
0x5a: {  	[spmem:s20] =	stream.linear.scatter [tilespmem:s16], [sflag:$0x8], $0x50, $0x38;
	[tilespmem:$0x1FF40] =	vst v63  }
0x5b: {  	_ =	swait.ge [sflag:s15], $0x50  }
0x5c: {  	[sflag:s15] =	ssyncset.done $0x0  }
0x5d: {  	s22 =	rddreg [dreg:$0x19];
	[sflag:s15] =	ssyncadd.s32 $0xFFFFFFB0  }
0x5e: {  	[spmem:s22] =	stream.linear.scatter [tilespmem:s13], [sflag:$0x8], $0x2800, $0x38;
	[tilespmem:$0x1FF40] =	vst v63  }
0x5f: {  	_ =	swait.ge [sflag:s15], $0x2800  }
0x60: {  	[sflag:s15] =	ssyncset.done $0x0  }
0x61: {  	s1 =	rddreg [dreg:$0x1a];
	[sflag:s15] =	ssyncadd.s32 $0xFFFFD800  }
0x62: {  	[spmem:s1] =	stream.linear.scatter [tilespmem:s16], [sflag:$0x8], $0x50, $0x38;
	[tilespmem:$0x1FF40] =	vst v63  }
0x63: {  	_ =	swait.ge [sflag:s15], $0x50  }
0x64: {  	[sflag:s15] =	ssyncset.done $0x0  }
0x65: {  	s3 =	rddreg [dreg:$0x1b];
	[sflag:s15] =	ssyncadd.s32 $0xFFFFFFB0  }
0x66: {  	[spmem:s3] =	stream.linear.scatter [tilespmem:s13], [sflag:$0x8], $0x2800, $0x38;
	[tilespmem:$0x1FF40] =	vst v63  }
0x67: {  	_ =	swait.ge [sflag:s15], $0x2800  }
0x68: {  	[sflag:s15] =	ssyncset.done $0x0  }
0x69: {  	s8 =	rddreg [dreg:$0x1c];
	[sflag:s15] =	ssyncadd.s32 $0xFFFFD800  }
0x6a: {  	[spmem:s8] =	stream.linear.scatter [tilespmem:s16], [sflag:$0x8], $0x50, $0x38;
	[tilespmem:$0x1FF40] =	vst v63  }
0x6b: {  	_ =	swait.ge [sflag:s15], $0x50  }
0x6c: {  	[sflag:s15] =	ssyncset.done $0x0  }
0x6d: {  	s12 =	rddreg [dreg:$0x1d];
	[sflag:s15] =	ssyncadd.s32 $0xFFFFFFB0  }
0x6e: {  	[spmem:s12] =	stream.linear.scatter [tilespmem:s13], [sflag:$0x8], $0x2800, $0x38;
	[tilespmem:$0x1FF40] =	vst v63  }
0x6f: {  	_ =	swait.ge [sflag:s15], $0x2800  }
0x70: {  	[sflag:s15] =	ssyncset.done $0x0  }
0x71: {  	s17 =	rddreg [dreg:$0x1e];
	[sflag:s15] =	ssyncadd.s32 $0xFFFFD800  }
0x72: {  	[spmem:s17] =	stream.linear.scatter [tilespmem:s16], [sflag:$0x8], $0x50, $0x38;
	[tilespmem:$0x1FF40] =	vst v63  }
0x73: {  	_ =	swait.ge [sflag:s15], $0x50  }
0x74: {  	[sflag:s15] =	ssyncset.done $0x0  }
0x75: {  	s20 =	rddreg [dreg:$0x1f];
	[sflag:s15] =	ssyncadd.s32 $0xFFFFFFB0  }
0x76: {  	[spmem:s20] =	stream.linear.scatter [tilespmem:s13], [sflag:$0x8], $0x2800, $0x38;
	[tilespmem:$0x1FF40] =	vst v63  }
0x77: {  	_ =	swait.ge [sflag:s15], $0x2800  }
0x78: {  	s22 =	sld [smem:$0x7FC]  }
0x79: {  	[sflag:s15] =	ssyncset.done $0x0  }
0x7a: {  	[sflag:s15] =	ssyncadd.s32 $0xFFFFD800  }
0x7b: {  	[spmem:s22] =	stream.linear.scatter [tilespmem:s16], [sflag:$0x8], $0x50, $0x38;
	[tilespmem:$0x1FF40] =	vst v63  }
0x7c: {  	_ =	swait.ge [sflag:s15], $0x50  }
0x7d: {  	[sflag:s15] =	ssyncset.done $0x0  }
0x7e: {  	[sflag:s15] =	ssyncadd.s32 $0xFFFFFFB0  }
0x7f: {  	[tilespmem:$0xC000] =	vst v1  }
0x80: {  	[tilespmem:$0xC010] =	vst v1  }
0x81: {  	[tilespmem:$0xC020] =	vst v1  }
0x82: {  	[tilespmem:$0xC030] =	vst v1  }
0x83: {  	[tilespmem:$0xC040] =	vst v1  }
0x84: {  	[bflag:$0x0] =	sbarrier.arrive $0xFFFF  }
0x85: {  	s22 =	simm.s32 $0x0;
	s0 =	rddreg [dreg:$0x17]  }
.LBB2_4:
0x86: {  	s1 =	sshll.u32 s22, $0xC;
	s3 =	rddreg [dreg:$0xd]  }
0x87: {  	s1 =	sadd.s32 s3, s1  }
0x88: {  	s17 =	rddreg [dreg:$0x0];
	s1 =	sshrl.u32 s1, $0x3  }
0x89: {  	s3 =	sadd.s32 s17, s1  }
0x8a: {  	[tilespmem:s10], [sflag:$0x8] =	stream.linear.gather [hbm4b:s3+s10], $0xC80, $0x38;
	[tilespmem:$0x1FF40] =	vst v63  }
0x8b: {  	_ =	swait.ge [sflag:s15], $0xC80  }
0x8c: {  	[sflag:s15] =	ssyncset.done $0x0;
	s20 =	rddreg [dreg:$0x7]  }
0x8d: {  	[sflag:s15] =	ssyncadd.s32 $0xFFFFF380;
	s1 =	sadd.s32 s20, s1  }
0x8e: {  	[tilespmem:s18], [sflag:$0x8] =	stream.linear.gather [hbm4b:s1+s10], $0xC80, $0x38;
	[tilespmem:$0x1FF40] =	vst v63  }
0x8f: {  	s8 =	smul.u32 $0x19, s22;
	_ =	swait.ge [sflag:s15], $0xC80  }
0x90: {  	s12 =	rddreg [dreg:$0x10]  }
0x91: {  	[sflag:s15] =	ssyncset.done $0x0;
	s1 =	sadd.s32 s12, s8  }
0x92: {  	[sflag:s15] =	ssyncadd.s32 $0xFFFFF380;
	s1 =	smul.u32 $0x500, s1  }
0x93: {  	[tilespmem:s13], [sflag:$0x1] =	stream.indirect.gather [hbm4b:s2+s19], $0x80, s10, s19, $0xb8;
	[tilespmem:$0x1FF40] =	vst v63  }
0x94: {  	s20 =	sld [smem:$0x7FD];
	s12 =	smov.u32 s14;
	s14 =	sadd.s32 s14, s1  }
0x95: {  	[tilespmem:s21], [sflag:$0x2] =	stream.linear.gather [hbm4b:s14+s10], $0x2800, $0x38;
	[tilespmem:$0x1FF40] =	vst v63  }
0x96: {  	s17 =	simm.s32 $0x80  }
0x97: {  	[tilespmem:s23], [sflag:$0x4] =	stream.indirect.gather [hbm4b:s2+s19], $0x80, s17, s19, $0xb8;
	[tilespmem:$0x1FF40] =	vst v63  }
0x98: {  	s1 =	sadd.s32 s20, s1  }
0x99: {  	[tilespmem:s25], [sflag:$0x5] =	stream.linear.gather [hbm4b:s1+s10], $0x2800, $0x38;
	[tilespmem:$0x1FF40] =	vst v63  }
0x9a: {  	_ =	swait.ge [sflag:s26], $0x2800  }
0x9b: {  	[sflag:s26] =	ssyncset.done $0x0  }
0x9c: {  	[sflag:s26] =	ssyncadd.s32 $0xFFFFD800  }
0x9d: {  	_ =	swait.ge [sflag:s28], $0x2800  }
0x9e: {  	[sflag:s28] =	ssyncset.done $0x0  }
0x9f: {  	[sflag:s28] =	ssyncadd.s32 $0xFFFFD800  }
0xa0: {  	[spmem:s5] =	stream.indirect.scatter.add.f32 [tilespmem:s13], [sflag:$0x3], $0x80, s18, s19, $0xb8;
	[tilespmem:$0x1FF40] =	vst v63  }
0xa1: {  	_ = 	snop  }
0xa2: {  	[spmem:s5] =	stream.indirect.scatter.add.f32 [tilespmem:s21], [sflag:$0x3], $0x80, s18, s19, $0xb8;
	[tilespmem:$0x1FF40] =	vst v63  }
0xa3: {  	_ = 	snop  }
0xa4: {  	[spmem:s6] =	stream.indirect.scatter.add.f32 [tilespmem:s16], [sflag:$0x7], $0x1, s18, s19, $0xb8;
	[tilespmem:$0x1FF40] =	vst v63  }
0xa5: {  	_ =	swait.ge [sflag:s29], $0x2800  }
0xa6: {  	[sflag:s29] =	ssyncset.done $0x0  }
0xa7: {  	[sflag:s29] =	ssyncadd.s32 $0xFFFFD800  }
0xa8: {  	_ =	swait.ge [sflag:s24], $0x2800  }
0xa9: {  	[sflag:s24] =	ssyncset.done $0x0  }
0xaa: {  	[sflag:s24] =	ssyncadd.s32 $0xFFFFD800  }
0xab: {  	[spmem:s5] =	stream.indirect.scatter.add.f32 [tilespmem:s23], [sflag:$0x6], $0x80, s30, s19, $0xb8;
	[tilespmem:$0x1FF40] =	vst v63  }
0xac: {  	_ = 	snop  }
0xad: {  	[spmem:s5] =	stream.indirect.scatter.add.f32 [tilespmem:s25], [sflag:$0x6], $0x80, s30, s19, $0xb8;
	[tilespmem:$0x1FF40] =	vst v63  }
0xae: {  	_ = 	snop  }
0xaf: {  	[spmem:s6] =	stream.indirect.scatter.add.f32 [tilespmem:s16], [sflag:$0x7], $0x1, s30, s19, $0xb8;
	[tilespmem:$0x1FF40] =	vst v63  }
0xb0: {  	_ =	swait.ge [sflag:s31], $0x2800  }
0xb1: {  	[sflag:s31] =	ssyncset.done $0x0  }
0xb2: {  	[sflag:s31] =	ssyncadd.s32 $0xFFFFD800  }
0xb3: {  	_ =	swait.ge [sflag:s31], $0x2800  }
0xb4: {  	[sflag:s31] =	ssyncset.done $0x0  }
0xb5: {  	s3 =	simm.s32 $0x100;
	[sflag:s31] =	ssyncadd.s32 $0xFFFFD800  }
0xb6: {  	[tilespmem:s13], [sflag:$0x1] =	stream.indirect.gather [hbm4b:s2+s19], $0x80, s3, s19, $0xb8;
	[tilespmem:$0x1FF40] =	vst v63  }
0xb7: {  	s8 =	sadd.s32 $0xFFFFFB00, s0  }
0xb8: {  	[tilespmem:s21], [sflag:$0x2] =	stream.linear.gather [hbm4b:s8+s7], $0x2800, $0x38;
	[tilespmem:$0x1FF40] =	vst v63  }
0xb9: {  	_ =	swait.ge [sflag:s4], $0x2800  }
0xba: {  	[sflag:s4] =	ssyncset.done $0x0  }
0xbb: {  	[sflag:s4] =	ssyncadd.s32 $0xFFFFD800  }
0xbc: {  	_ =	swait.ge [sflag:s4], $0x2800  }
0xbd: {  	[sflag:s4] =	ssyncset.done $0x0  }
0xbe: {  	s14 =	simm.s32 $0x180;
	[sflag:s4] =	ssyncadd.s32 $0xFFFFD800  }
0xbf: {  	[tilespmem:s23], [sflag:$0x4] =	stream.indirect.gather [hbm4b:s2+s19], $0x80, s14, s19, $0xb8;
	[tilespmem:$0x1FF40] =	vst v63  }
0xc0: {  	_ = 	snop  }
0xc1: {  	[tilespmem:s25], [sflag:$0x5] =	stream.linear.gather [hbm4b:s0+s7], $0x2800, $0x38;
	[tilespmem:$0x1FF40] =	vst v63  }
0xc2: {  	_ =	swait.ge [sflag:s26], $0x2800  }
0xc3: {  	[sflag:s26] =	ssyncset.done $0x0  }
0xc4: {  	[sflag:s26] =	ssyncadd.s32 $0xFFFFD800  }
0xc5: {  	_ =	swait.ge [sflag:s28], $0x2800  }
0xc6: {  	[sflag:s28] =	ssyncset.done $0x0  }
0xc7: {  	s17 =	simm.s32 $0x1100;
	[sflag:s28] =	ssyncadd.s32 $0xFFFFD800  }
0xc8: {  	[spmem:s5] =	stream.indirect.scatter.add.f32 [tilespmem:s13], [sflag:$0x3], $0x80, s17, s19, $0xb8;
	[tilespmem:$0x1FF40] =	vst v63  }
0xc9: {  	_ = 	snop  }
0xca: {  	[spmem:s5] =	stream.indirect.scatter.add.f32 [tilespmem:s21], [sflag:$0x3], $0x80, s17, s19, $0xb8;
	[tilespmem:$0x1FF40] =	vst v63  }
0xcb: {  	_ = 	snop  }
0xcc: {  	[spmem:s6] =	stream.indirect.scatter.add.f32 [tilespmem:s16], [sflag:$0x7], $0x1, s17, s19, $0xb8;
	[tilespmem:$0x1FF40] =	vst v63  }
0xcd: {  	_ =	swait.ge [sflag:s29], $0x2800  }
0xce: {  	[sflag:s29] =	ssyncset.done $0x0  }
0xcf: {  	[sflag:s29] =	ssyncadd.s32 $0xFFFFD800  }
0xd0: {  	_ =	swait.ge [sflag:s24], $0x2800  }
0xd1: {  	[sflag:s24] =	ssyncset.done $0x0  }
0xd2: {  	s20 =	simm.s32 $0x1180;
	[sflag:s24] =	ssyncadd.s32 $0xFFFFD800  }
0xd3: {  	[spmem:s5] =	stream.indirect.scatter.add.f32 [tilespmem:s23], [sflag:$0x6], $0x80, s20, s19, $0xb8;
	[tilespmem:$0x1FF40] =	vst v63  }
0xd4: {  	_ = 	snop  }
0xd5: {  	[spmem:s5] =	stream.indirect.scatter.add.f32 [tilespmem:s25], [sflag:$0x6], $0x80, s20, s19, $0xb8;
	[tilespmem:$0x1FF40] =	vst v63  }
0xd6: {  	_ = 	snop  }
0xd7: {  	[spmem:s6] =	stream.indirect.scatter.add.f32 [tilespmem:s16], [sflag:$0x7], $0x1, s20, s19, $0xb8;
	[tilespmem:$0x1FF40] =	vst v63  }
0xd8: {  	_ =	swait.ge [sflag:s31], $0x2800  }
0xd9: {  	[sflag:s31] =	ssyncset.done $0x0  }
0xda: {  	[sflag:s31] =	ssyncadd.s32 $0xFFFFD800  }
0xdb: {  	s1 =	simm.s32 $0x100;
	_ =	swait.ge [sflag:s31], $0x2800  }
0xdc: {  	s3 =	sadd.s32 $0xA00, s0;
	s8 =	simm.s32 $0x800;
	[sflag:s31] =	ssyncset.done $0x0  }
.LBB2_5:
0xdd: {  	s20 =	sadd.s32 $0x100, s1  }
0xde: {  	[sflag:s31] =	ssyncadd.s32 $0xFFFFD800;
	s14 =	smov.u32 s8;
	s17 =	sadd.s32 $0x400, s8  }
0xdf: {  	[tilespmem:s13], [sflag:$0x1] =	stream.indirect.gather [hbm4b:s2+s19], $0x80, s20, s19, $0xb8;
	[tilespmem:$0x1FF40] =	vst v63  }
0xe0: {  	p1 =	sne.s32 s8, $0x2800;
	s8 =	sadd.s32 $0xFFFFFB00, s3  }
0xe1: {  	[tilespmem:s21], [sflag:$0x2] =	stream.linear.gather [hbm4b:s8+s7], $0x2800, $0x38;
	[tilespmem:$0x1FF40] =	vst v63  }
0xe2: {  	_ =	swait.ge [sflag:s4], $0x2800  }
0xe3: {  	[sflag:s4] =	ssyncset.done $0x0  }
0xe4: {  	[sflag:s4] =	ssyncadd.s32 $0xFFFFD800  }
0xe5: {  	_ =	swait.ge [sflag:s4], $0x2800  }
0xe6: {  	[sflag:s4] =	ssyncset.done $0x0  }
0xe7: {  	s8 =	sadd.s32 $0x180, s1;
	[sflag:s4] =	ssyncadd.s32 $0xFFFFD800  }
0xe8: {  	[tilespmem:s23], [sflag:$0x4] =	stream.indirect.gather [hbm4b:s2+s19], $0x80, s8, s19, $0xb8;
	[tilespmem:$0x1FF40] =	vst v63  }
0xe9: {  	_ = 	snop  }
0xea: {  	[tilespmem:s25], [sflag:$0x5] =	stream.linear.gather [hbm4b:s3+s7], $0x2800, $0x38;
	[tilespmem:$0x1FF40] =	vst v63  }
0xeb: {  	_ =	swait.ge [sflag:s26], $0x2800  }
0xec: {  	[sflag:s26] =	ssyncset.done $0x0  }
0xed: {  	[sflag:s26] =	ssyncadd.s32 $0xFFFFD800  }
0xee: {  	_ =	swait.ge [sflag:s28], $0x2800  }
0xef: {  	[sflag:s28] =	ssyncset.done $0x0  }
0xf0: {  	s8 =	sadd.s32 $0x1100, s1;
	[sflag:s28] =	ssyncadd.s32 $0xFFFFD800  }
0xf1: {  	[spmem:s5] =	stream.indirect.scatter.add.f32 [tilespmem:s13], [sflag:$0x3], $0x80, s8, s19, $0xb8;
	[tilespmem:$0x1FF40] =	vst v63  }
0xf2: {  	_ = 	snop  }
0xf3: {  	[spmem:s5] =	stream.indirect.scatter.add.f32 [tilespmem:s21], [sflag:$0x3], $0x80, s8, s19, $0xb8;
	[tilespmem:$0x1FF40] =	vst v63  }
0xf4: {  	_ = 	snop  }
0xf5: {  	[spmem:s6] =	stream.indirect.scatter.add.f32 [tilespmem:s16], [sflag:$0x7], $0x1, s8, s19, $0xb8;
	[tilespmem:$0x1FF40] =	vst v63  }
0xf6: {  	_ =	swait.ge [sflag:s29], $0x2800  }
0xf7: {  	[sflag:s29] =	ssyncset.done $0x0  }
0xf8: {  	[sflag:s29] =	ssyncadd.s32 $0xFFFFD800  }
0xf9: {  	_ =	swait.ge [sflag:s24], $0x2800  }
0xfa: {  	[sflag:s24] =	ssyncset.done $0x0  }
0xfb: {  	s1 =	sadd.s32 $0x1180, s1;
	[sflag:s24] =	ssyncadd.s32 $0xFFFFD800  }
0xfc: {  	[spmem:s5] =	stream.indirect.scatter.add.f32 [tilespmem:s23], [sflag:$0x6], $0x80, s1, s19, $0xb8;
	[tilespmem:$0x1FF40] =	vst v63  }
0xfd: {  	_ = 	snop  }
0xfe: {  	[spmem:s5] =	stream.indirect.scatter.add.f32 [tilespmem:s25], [sflag:$0x6], $0x80, s1, s19, $0xb8;
	[tilespmem:$0x1FF40] =	vst v63  }
0xff: {  	_ = 	snop  }
0x100: {  	[spmem:s6] =	stream.indirect.scatter.add.f32 [tilespmem:s16], [sflag:$0x7], $0x1, s1, s19, $0xb8;
	[tilespmem:$0x1FF40] =	vst v63  }
.Ltmp1:
0x101: {  	_ =	swait.ge [sflag:s31], $0x2800;
	(pc) =	sbr.rel @p1 .LBB2_5-.Ltmp1, $4  }
0x102: {  	[sflag:s31] =	ssyncset.done $0x0  }
0x103: {  	[sflag:s31] =	ssyncadd.s32 $0xFFFFD800  }
0x104: {  	s3 =	sadd.s32 $0xA00, s3;
	_ =	swait.ge [sflag:s31], $0x2800  }
0x105: {  	s8 =	smov.u32 s17;
	s1 =	sshra.s32 s14, $0x2;
	[sflag:s31] =	ssyncset.done $0x0  }
0x106: {  	s8 =	sadd.s32 $0x100, s1;
	[sflag:s31] =	ssyncadd.s32 $0xFFFFD800  }
0x107: {  	[tilespmem:s13], [sflag:$0x1] =	stream.indirect.gather [hbm4b:s2+s19], $0x80, s8, s19, $0xb8;
	[tilespmem:$0x1FF40] =	vst v63  }
0x108: {  	s14 =	sadd.s32 $0xFFFFFB00, s3  }
0x109: {  	[tilespmem:s21], [sflag:$0x2] =	stream.linear.gather [hbm4b:s14+s7], $0x2800, $0x38;
	[tilespmem:$0x1FF40] =	vst v63  }
0x10a: {  	_ =	swait.ge [sflag:s4], $0x2800  }
0x10b: {  	[sflag:s4] =	ssyncset.done $0x0  }
0x10c: {  	[sflag:s4] =	ssyncadd.s32 $0xFFFFD800  }
0x10d: {  	_ =	swait.ge [sflag:s4], $0x2800  }
0x10e: {  	[sflag:s4] =	ssyncset.done $0x0  }
0x10f: {  	s17 =	sadd.s32 $0x180, s1;
	[sflag:s4] =	ssyncadd.s32 $0xFFFFD800  }
0x110: {  	[tilespmem:s23], [sflag:$0x4] =	stream.indirect.gather [hbm4b:s2+s19], $0x80, s17, s19, $0xb8;
	[tilespmem:$0x1FF40] =	vst v63  }
0x111: {  	_ = 	snop  }
0x112: {  	[tilespmem:s25], [sflag:$0x5] =	stream.linear.gather [hbm4b:s3+s7], $0x2800, $0x38;
	[tilespmem:$0x1FF40] =	vst v63  }
0x113: {  	_ =	swait.ge [sflag:s26], $0x2800  }
0x114: {  	[sflag:s26] =	ssyncset.done $0x0  }
0x115: {  	[sflag:s26] =	ssyncadd.s32 $0xFFFFD800  }
0x116: {  	_ =	swait.ge [sflag:s28], $0x2800  }
0x117: {  	[sflag:s28] =	ssyncset.done $0x0  }
0x118: {  	s20 =	sadd.s32 $0x1100, s1;
	[sflag:s28] =	ssyncadd.s32 $0xFFFFD800  }
0x119: {  	[spmem:s5] =	stream.indirect.scatter.add.f32 [tilespmem:s13], [sflag:$0x3], $0x80, s20, s19, $0xb8;
	[tilespmem:$0x1FF40] =	vst v63  }
0x11a: {  	_ = 	snop  }
0x11b: {  	[spmem:s5] =	stream.indirect.scatter.add.f32 [tilespmem:s21], [sflag:$0x3], $0x80, s20, s19, $0xb8;
	[tilespmem:$0x1FF40] =	vst v63  }
0x11c: {  	_ = 	snop  }
0x11d: {  	[spmem:s6] =	stream.indirect.scatter.add.f32 [tilespmem:s16], [sflag:$0x7], $0x1, s20, s19, $0xb8;
	[tilespmem:$0x1FF40] =	vst v63  }
0x11e: {  	_ =	swait.ge [sflag:s29], $0x2800  }
0x11f: {  	[sflag:s29] =	ssyncset.done $0x0  }
0x120: {  	[sflag:s29] =	ssyncadd.s32 $0xFFFFD800  }
0x121: {  	_ =	swait.ge [sflag:s24], $0x2800  }
0x122: {  	[sflag:s24] =	ssyncset.done $0x0  }
0x123: {  	s8 =	sadd.s32 $0x1180, s1;
	[sflag:s24] =	ssyncadd.s32 $0xFFFFD800  }
0x124: {  	[spmem:s5] =	stream.indirect.scatter.add.f32 [tilespmem:s23], [sflag:$0x6], $0x80, s8, s19, $0xb8;
	[tilespmem:$0x1FF40] =	vst v63  }
0x125: {  	_ = 	snop  }
0x126: {  	[spmem:s5] =	stream.indirect.scatter.add.f32 [tilespmem:s25], [sflag:$0x6], $0x80, s8, s19, $0xb8;
	[tilespmem:$0x1FF40] =	vst v63  }
0x127: {  	_ = 	snop  }
0x128: {  	[spmem:s6] =	stream.indirect.scatter.add.f32 [tilespmem:s16], [sflag:$0x7], $0x1, s8, s19, $0xb8;
	[tilespmem:$0x1FF40] =	vst v63  }
0x129: {  	_ =	swait.ge [sflag:s31], $0x2800  }
0x12a: {  	[sflag:s31] =	ssyncset.done $0x0  }
0x12b: {  	[sflag:s31] =	ssyncadd.s32 $0xFFFFD800  }
0x12c: {  	s14 =	smul.u32 $0x3E800, s22;
	_ =	swait.ge [sflag:s31], $0x2800  }
0x12d: {  	[sflag:s31] =	ssyncset.done $0x0;
	s20 =	rddreg [dreg:$0x13]  }
0x12e: {  	s17 =	simm.s32 $0xC00;
	[sflag:s31] =	ssyncadd.s32 $0xFFFFD800;
	s1 =	sadd.s32 s20, s14  }
0x12f: {  	[tilespmem:s13], [sflag:$0x1] =	stream.indirect.gather [hbm4b:s2+s19], $0x80, s17, s19, $0xb8;
	[tilespmem:$0x1FF40] =	vst v63  }
0x130: {  	s1 =	sshrl.u32 s1, $0x3  }
0x131: {  	s1 =	sadd.s32 s12, s1  }
0x132: {  	[tilespmem:s21], [sflag:$0x2] =	stream.linear.gather [hbm4b:s1+s7], $0x2800, $0x38;
	[tilespmem:$0x1FF40] =	vst v63  }
0x133: {  	_ =	swait.ge [sflag:s4], $0x2800  }
0x134: {  	[sflag:s4] =	ssyncset.done $0x0  }
0x135: {  	[sflag:s4] =	ssyncadd.s32 $0xFFFFD800  }
0x136: {  	_ =	swait.ge [sflag:s4], $0x2800  }
0x137: {  	[sflag:s4] =	ssyncset.done $0x0  }
0x138: {  	[sflag:s4] =	ssyncadd.s32 $0xFFFFD800  }
0x139: {  	_ =	swait.ge [sflag:s26], $0x2800  }
0x13a: {  	[sflag:s26] =	ssyncset.done $0x0  }
0x13b: {  	[sflag:s26] =	ssyncadd.s32 $0xFFFFD800  }
0x13c: {  	_ =	swait.ge [sflag:s28], $0x2800  }
0x13d: {  	[sflag:s28] =	ssyncset.done $0x0  }
0x13e: {  	[sflag:s28] =	ssyncadd.s32 $0xFFFFD800  }
0x13f: {  	[spmem:s5] =	stream.indirect.scatter.add.f32 [tilespmem:s13], [sflag:$0x3], $0x80, s11, s19, $0xb8;
	[tilespmem:$0x1FF40] =	vst v63  }
0x140: {  	_ = 	snop  }
0x141: {  	[spmem:s5] =	stream.indirect.scatter.add.f32 [tilespmem:s21], [sflag:$0x3], $0x80, s11, s19, $0xb8;
	[tilespmem:$0x1FF40] =	vst v63  }
0x142: {  	_ = 	snop  }
0x143: {  	[spmem:s6] =	stream.indirect.scatter.add.f32 [tilespmem:s16], [sflag:$0x7], $0x1, s11, s19, $0xb8;
	[tilespmem:$0x1FF40] =	vst v63  }
0x144: {  	_ =	swait.ge [sflag:s31], $0x2800  }
0x145: {  	[sflag:s31] =	ssyncset.done $0x0  }
0x146: {  	[sflag:s31] =	ssyncadd.s32 $0xFFFFD800  }
0x147: {  	_ =	swait.ge [sflag:s31], $0x2800  }
0x148: {  	[sflag:s31] =	ssyncset.done $0x0  }
0x149: {  	[sflag:s31] =	ssyncadd.s32 $0xFFFFD800  }
0x14a: {  	_ =	swait.ge [sflag:s9], $0x50  }
0x14b: {  	[sflag:s9] =	ssyncset.done $0x0  }
0x14c: {  	[sflag:s9] =	ssyncadd.s32 $0xFFFFFFB0  }
0x14d: {  	_ =	swait.ge [sflag:s9], $0x50  }
0x14e: {  	[sflag:s9] =	ssyncset.done $0x0  }
0x14f: {  	[sflag:s9] =	ssyncadd.s32 $0xFFFFFFB0  }
0x150: {  	_ =	swait.ge [sflag:s9], $0x50  }
0x151: {  	[sflag:s9] =	ssyncset.done $0x0  }
0x152: {  	[sflag:s9] =	ssyncadd.s32 $0xFFFFFFB0  }
0x153: {  	_ =	swait.ge [sflag:s9], $0x50  }
0x154: {  	[sflag:s9] =	ssyncset.done $0x0  }
0x155: {  	[sflag:s9] =	ssyncadd.s32 $0xFFFFFFB0  }
0x156: {  	_ =	swait.ge [sflag:s9], $0x50  }
0x157: {  	[sflag:s9] =	ssyncset.done $0x0  }
0x158: {  	[sflag:s9] =	ssyncadd.s32 $0xFFFFFFB0  }
0x159: {  	_ =	swait.ge [sflag:s9], $0x50  }
0x15a: {  	[sflag:s9] =	ssyncset.done $0x0  }
0x15b: {  	[sflag:s9] =	ssyncadd.s32 $0xFFFFFFB0  }
0x15c: {  	_ =	swait.ge [sflag:s9], $0x50  }
0x15d: {  	[sflag:s9] =	ssyncset.done $0x0  }
0x15e: {  	[sflag:s9] =	ssyncadd.s32 $0xFFFFFFB0  }
0x15f: {  	_ =	swait.ge [sflag:s9], $0x50  }
0x160: {  	[sflag:s9] =	ssyncset.done $0x0  }
0x161: {  	[sflag:s9] =	ssyncadd.s32 $0xFFFFFFB0  }
0x162: {  	_ =	swait.ge [sflag:s9], $0x50  }
0x163: {  	[sflag:s9] =	ssyncset.done $0x0  }
0x164: {  	[sflag:s9] =	ssyncadd.s32 $0xFFFFFFB0  }
0x165: {  	_ =	swait.ge [sflag:s9], $0x50  }
0x166: {  	[sflag:s9] =	ssyncset.done $0x0  }
0x167: {  	[sflag:s9] =	ssyncadd.s32 $0xFFFFFFB0  }
0x168: {  	_ =	swait.ge [sflag:s9], $0x50  }
0x169: {  	[sflag:s9] =	ssyncset.done $0x0  }
0x16a: {  	[sflag:s9] =	ssyncadd.s32 $0xFFFFFFB0  }
0x16b: {  	_ =	swait.ge [sflag:s9], $0x50  }
0x16c: {  	[sflag:s9] =	ssyncset.done $0x0  }
0x16d: {  	[sflag:s9] =	ssyncadd.s32 $0xFFFFFFB0  }
0x16e: {  	_ =	swait.ge [sflag:s9], $0x50  }
0x16f: {  	[sflag:s9] =	ssyncset.done $0x0  }
0x170: {  	[sflag:s9] =	ssyncadd.s32 $0xFFFFFFB0  }
0x171: {  	_ =	swait.ge [sflag:s9], $0x50  }
0x172: {  	[sflag:s9] =	ssyncset.done $0x0  }
0x173: {  	[sflag:s9] =	ssyncadd.s32 $0xFFFFFFB0  }
0x174: {  	_ =	swait.ge [sflag:s9], $0x50  }
0x175: {  	[sflag:s9] =	ssyncset.done $0x0  }
0x176: {  	[sflag:s9] =	ssyncadd.s32 $0xFFFFFFB0  }
0x177: {  	_ =	swait.ge [sflag:s9], $0x50  }
0x178: {  	[sflag:s9] =	ssyncset.done $0x0  }
0x179: {  	[sflag:s9] =	ssyncadd.s32 $0xFFFFFFB0  }
0x17a: {  	_ =	swait.ge [sflag:s9], $0x50  }
0x17b: {  	[sflag:s9] =	ssyncset.done $0x0  }
0x17c: {  	[sflag:s9] =	ssyncadd.s32 $0xFFFFFFB0  }
0x17d: {  	_ =	swait.ge [sflag:s9], $0x50  }
0x17e: {  	[sflag:s9] =	ssyncset.done $0x0  }
0x17f: {  	[sflag:s9] =	ssyncadd.s32 $0xFFFFFFB0  }
0x180: {  	_ =	swait.ge [sflag:s9], $0x50  }
0x181: {  	[sflag:s9] =	ssyncset.done $0x0  }
0x182: {  	[sflag:s9] =	ssyncadd.s32 $0xFFFFFFB0  }
0x183: {  	_ =	swait.ge [sflag:s9], $0x50  }
0x184: {  	[sflag:s9] =	ssyncset.done $0x0  }
0x185: {  	[sflag:s9] =	ssyncadd.s32 $0xFFFFFFB0  }
0x186: {  	_ =	swait.ge [sflag:s9], $0x50  }
0x187: {  	[sflag:s9] =	ssyncset.done $0x0  }
0x188: {  	[sflag:s9] =	ssyncadd.s32 $0xFFFFFFB0  }
0x189: {  	_ =	swait.ge [sflag:s9], $0x50  }
0x18a: {  	[sflag:s9] =	ssyncset.done $0x0  }
0x18b: {  	[sflag:s9] =	ssyncadd.s32 $0xFFFFFFB0  }
0x18c: {  	_ =	swait.ge [sflag:s9], $0x50  }
0x18d: {  	[sflag:s9] =	ssyncset.done $0x0  }
0x18e: {  	s22 =	sadd.s32 $0x1, s22;
	[sflag:s9] =	ssyncadd.s32 $0xFFFFFFB0  }
0x18f: {  	p1 =	sne.s32 s22, $0x5;
	_ =	swait.ge [sflag:s9], $0x50  }
.Ltmp2:
0x190: {  	[sflag:s9] =	ssyncset.done $0x0;
	(pc) =	sbr.rel @p1 .LBB2_4-.Ltmp2, $4  }
0x191: {  	[sflag:s9] =	ssyncadd.s32 $0xFFFFFFB0  }
0x192: {  	_ =	swait.ge [sflag:s9], $0x50  }
0x193: {  	[sflag:s9] =	ssyncset.done $0x0  }
0x194: {  	s0 =	sadd.s32 $0x7D00, s0;
	s14 =	smov.u32 s12;
	[sflag:s9] =	ssyncadd.s32 $0xFFFFFFB0  }
0x195: {  	s0 =	stileid.u32;
	[bflag:$0x0] =	sbarrier.arrive $0xFFFF  }
0x196: {  	s0 =	sshll.u32 s0, $0x6;
	s20 =	rddreg [dreg:$0x9]  }
0x197: {  	s3 =	rddreg [dreg:$0x14];
	s0 =	sor.u32 $0x1C08, s0;
	s1 =	sshrl.u32 s20, $0x3  }
0x198: {  	[hbm:s3], [sflag:s0] =	dma.local [spmem:s1], $0x50  }
0x199: {  	_ =	swait.ge [sflag:s15], $0x50  }
0x19a: {  	[sflag:s15] =	ssyncset.done $0x0;
	s1 =	rddreg [dreg:$0x15]  }
0x19b: {  	s3 =	rddreg [dreg:$0x18];
	[sflag:s15] =	ssyncadd.s32 $0xFFFFFFB0  }
0x19c: {  	[hbm:s1], [sflag:s0] =	dma.local @p0 [spmem:s3], $0x2080  }
0x19d: {  	s1 =	simm.s32 @p0 $0x8  }
0x19e: {  	_ =	swait.ge @p0 [sflag:s1], $0x2080  }
0x19f: {  	[sflag:s1] =	ssyncset.done @p0 $0x0;
	s17 =	rddreg [dreg:$0x8]  }
0x1a0: {  	s3 =	rddreg [dreg:$0x11];
	[sflag:s1] =	ssyncadd.s32 @p0 $0xFFFFDF80;
	s1 =	sshrl.u32 @!p0 s17, $0x3  }
0x1a1: {  	[hbm:s3], [sflag:s0] =	dma.local @!p0 [spmem:s1], $0x2780  }
0x1a2: {  	s0 =	simm.s32 @!p0 $0x8  }
0x1a3: {  	_ =	swait.ge @!p0 [sflag:s0], $0x2780  }
0x1a4: {  	s12 =	sld [smem:$0x7FB];
	_ =	sdelay $0x2  }
0x1a5: {  	s22 =	rddreg [dreg:$0x16];
	s3 =	sadd.s32 $0x1, s12  }
0x1a6: {  	p1 =	sne.s32 s3, s22  }
.Ltmp3:
0x1a7: {  	_ = 	snop;
	(pc) =	sbr.rel @p1 .LBB2_1-.Ltmp3, $3  }
0x1a8: {  	_ =	sdelay $0x1  }
0x1a9: {  	[sflag:s0] =	ssyncset.done @!p0 $0x0  }
0x1aa: {  	[sflag:s0] =	ssyncadd.s32 @!p0 $0xFFFFD880  }
0x1ab: {  	_ =	sfence.sel $0x180000  }
0x1ac: {  	[bflag:$0x0] =	sbarrier.arrive $0xFFFF  }
0x1ad: {  	_ =	strace $0x90000047  }
0x1ae: {  	s0 =	stileid.u32;
	[bflag:$0x2] =	sbarrier.arrive $0xFFFF  }
0x1af: {  	p0 =	sne.s32 s0, $0x0;
	s0 =	rddreg [dreg:$0x6]  }
0x1b0: {  	s0 =	sadd.s32 @!p0 $0x100000, s0  }
0x1b1: {  	[sflag:s0] =	ssyncadd.tile.s32 @!p0 $0x1;
	_ =	shalt  }
.Lfunc_end2:
_tile_overlayer_lowered:
.L_overlay_start_2:
0x1b2: {  	(tag) =	ssettag $0x2  }
0x1b3: {  	s0 =	rddreg [dreg:$0x0];
	s2 =	stileid.u32  }
0x1b4: {  	s1 =	rddreg [dreg:$0x1];
	p0 =	sne.s32 s2, $0x0  }
0x1b5: {  	s3 =	rddreg [dreg:$0x2];
	[bflag:$0x3] =	sbarrier.arrive $0xFFFF;
	s2 =	simm.s32 @!p0 $0x1C08  }
0x1b6: {  	[timem:s3], [sflag:s2] =	dma.local @!p0 [hbm:s0], s1  }
0x1b7: {  	s0 =	simm.s32 @!p0 $0x8  }
0x1b8: {  	_ =	swait.ge @!p0 [sflag:s0], s1  }
0x1b9: {  	s1 =	ssub.s32 @!p0 $0x0, s1;
	[sflag:s0] =	ssyncset.done @!p0 $0x0  }
0x1ba: {  	[sflag:s0] =	ssyncadd.s32 @!p0 s1  }
0x1bb: {  	[bflag:$0x3] =	sbarrier.arrive $0xFFFF  }
0x1bc: {  	_ =	shalt  }

</sc_bundles>
